<compile_context>
chip_gen: v7x
topology: tpu7x:2x2x1
jax: 0.10.2.dev20260603
libtpu: 0.0.44.dev20260713+nightly
codegen_flags: <defaults>
</compile_context>

<pallas_src>
import functools

import jax
import jax.numpy as jnp
from jax import lax
from jax.experimental import pallas as pl
from jax.experimental.pallas import tpu as pltpu
from jax.experimental.pallas import tpu_sc as plsc

N = 10000
E = 320000
NFEAT = 128
NHID = 64
H = 2 * NHID
MAX_LOGSTD = 10.0

NC = 2
NS = 16
NW = NC * NS
CHUNK = 128
NB = 2
NCH = 80
PH = 2
CPP = NCH // PH
TPE = NCH * CHUNK
EPAD = NW * TPE
NACC = 10112
RPT = NACC // NS
BLK = 128
NBLK = NACC // BLK

_mesh = plsc.VectorSubcoreMesh(core_axis_name="c", subcore_axis_name="s")



@functools.partial(
    pl.kernel,
    out_type=jax.ShapeDtypeStruct((NW, 1, NACC), jnp.float32),
    mesh=_mesh,
    compiler_params=pltpu.CompilerParams(needs_layout_passes=False),
    scratch_types=[
        pltpu.VMEM((NACC,), jnp.float32),
        pltpu.VMEM((NCH, CHUNK), jnp.int32),
    ],
)
def _deg_kernel(dst_hbm, zeros_hbm, out_hbm, hist, didx):
    c = lax.axis_index("c")
    s = lax.axis_index("s")
    wid = s * NC + c
    pltpu.sync_copy(zeros_hbm, hist)
    pltpu.sync_copy(dst_hbm.at[wid], didx)
    ones = jnp.full((16,), 1.0, jnp.float32)

    def body(j, carry):
        for k in range(CHUNK // 16):
            idx = didx[j, pl.ds(k * 16, 16)]
            plsc.addupdate_scatter(hist, [idx], ones)
        return carry

    lax.fori_loop(0, NCH, body, 0)
    pltpu.sync_copy(hist, out_hbm.at[wid, 0])



@functools.partial(
    pl.kernel,
    out_type=jax.ShapeDtypeStruct((NC, NACC, H), jnp.float32),
    mesh=_mesh,
    scratch_types=[
        pltpu.VMEM_SHARED((NACC, H), jnp.float32),
        pltpu.VMEM((CPP, CHUNK), jnp.int32),
        pltpu.VMEM((CPP, CHUNK), jnp.int32),
        pltpu.VMEM((NB, CHUNK, H), jnp.float32),
        pltpu.SemaphoreType.DMA,
        pltpu.SemaphoreType.DMA,
        pltpu.SemaphoreType.DMA,
        pltpu.SemaphoreType.DMA,
    ],
)
def _adj_kernel(y_hbm, src_hbm, dst_hbm, zeros_hbm, out_hbm,
                acc, sidx, didx, rows, sem0, sem1, sem2, sem3):
    sems = (sem0, sem1, sem2, sem3)
    c = lax.axis_index("c")
    s = lax.axis_index("s")
    wid = s * NC + c
    pltpu.sync_copy(zeros_hbm, acc.at[pl.ds(s * RPT, RPT)])
    plsc.subcore_barrier()

    for p in range(PH):
        pltpu.sync_copy(src_hbm.at[wid, pl.ds(p * CPP, CPP)], sidx)
        pltpu.sync_copy(dst_hbm.at[wid, pl.ds(p * CPP, CPP)], didx)

        for b in range(NB):
            pltpu.async_copy(y_hbm.at[sidx.at[b]], rows.at[b], sems[b])

        def body(k, carry):
            for b in range(NB):
                chunk = k * NB + b
                pltpu.make_async_copy(y_hbm.at[sidx.at[chunk]],
                                      rows.at[b], sems[b]).wait()
                pltpu.sync_copy(rows.at[b], acc.at[didx.at[chunk]], add=True)

                @pl.when(chunk + NB < CPP)
                def _():
                    pltpu.async_copy(y_hbm.at[sidx.at[chunk + NB]],
                                     rows.at[b], sems[b])
            return carry

        lax.fori_loop(0, CPP // NB, body, 0)

    plsc.subcore_barrier()
    pltpu.sync_copy(acc.at[pl.ds(s * RPT, RPT)],
                    out_hbm.at[c, pl.ds(s * RPT, RPT)])



def _tc1_body(x_ref, w_ref, b_ref, d_ref, y1_ref, dinv_ref):
    i = pl.program_id(0)
    h0 = jnp.dot(x_ref[...], w_ref[...], preferred_element_type=jnp.float32)
    h0 = h0 + b_ref[...]
    ones_w = jnp.ones((NW, 1), jnp.float32)
    deg = lax.dot_general(d_ref[...], ones_w, (((0,), (0,)), ((), ())),
                          preferred_element_type=jnp.float32) + 1.0
    rows = i * BLK + lax.broadcasted_iota(jnp.int32, (BLK, 1), 0)
    dinv = jnp.where(rows < N, lax.rsqrt(deg), 0.0)
    y1_ref[...] = dinv * h0
    dinv_ref[...] = dinv


def _tc2_body(u_ref, y1_ref, dinv_ref, w_ref, b_ref, y2_ref):
    dinv = dinv_ref[...]
    s1 = dinv * (u_ref[0] + u_ref[1] + y1_ref[...])
    h = jnp.dot(s1, w_ref[...], preferred_element_type=jnp.float32)
    h = jnp.maximum(h + b_ref[...], 0.0)
    y2_ref[...] = dinv * h


def _tc3_body(u_ref, y2_ref, dinv_ref, w_ref, b_ref, eps_ref, z_ref):
    s2 = dinv_ref[...] * (u_ref[0] + u_ref[1] + y2_ref[...])
    o = jnp.dot(s2, w_ref[...], preferred_element_type=jnp.float32)
    o = o + b_ref[...]
    mu = o[:, :NHID]
    ls = jnp.minimum(o[:, NHID:], MAX_LOGSTD)
    z_ref[...] = mu + eps_ref[...] * jnp.exp(ls)


def _row_spec(width):
    return pl.BlockSpec((BLK, width), lambda i: (i, 0))


def _full_spec(shape):
    ndim = len(shape)
    return pl.BlockSpec(shape, lambda i: (0,) * ndim)


def _parts_spec(width):
    return pl.BlockSpec((NC, BLK, width), lambda i: (0, i, 0))



def kernel(x, edge_index, lin_W, lin_b, W1, b1, Wmu, bmu, Wls, bls, eps):
    src = edge_index[0]
    dst = edge_index[1]
    pad_src = jnp.full((EPAD - E,), N, dtype=jnp.int32)
    pad_dst = N + 1 + (jnp.arange(EPAD - E, dtype=jnp.int32) % (NACC - N - 1))
    src_p = jnp.concatenate([src, pad_src]).reshape(NW, NCH, CHUNK)
    dst_p = jnp.concatenate([dst, pad_dst]).reshape(NW, NCH, CHUNK)
    x_p = jnp.pad(x, ((0, NACC - N), (0, 0)))
    eps_p = jnp.pad(eps, ((0, NACC - N), (0, 0)))
    zeros_n = jnp.zeros((NACC,), jnp.float32)
    zrows = jnp.zeros((RPT, H), jnp.float32)
    W2 = jnp.concatenate([Wmu, Wls], axis=1)
    b2 = jnp.concatenate([bmu, bls])[None, :]
    b1r = b1[None, :]
    linbr = lin_b[None, :]

    deg_parts = _deg_kernel(dst_p, zeros_n).reshape(NW, NACC)

    y1, dinv = pl.pallas_call(
        _tc1_body,
        grid=(NBLK,),
        in_specs=[_row_spec(NFEAT), _full_spec((NFEAT, H)),
                  _full_spec((1, H)),
                  pl.BlockSpec((NW, BLK), lambda i: (0, i))],
        out_specs=[_row_spec(H), _row_spec(1)],
        out_shape=[jax.ShapeDtypeStruct((NACC, H), jnp.float32),
                   jax.ShapeDtypeStruct((NACC, 1), jnp.float32)],
    )(x_p, lin_W, linbr, deg_parts)

    u1 = _adj_kernel(y1, src_p, dst_p, zrows)

    y2 = pl.pallas_call(
        _tc2_body,
        grid=(NBLK,),
        in_specs=[_parts_spec(H), _row_spec(H), _row_spec(1),
                  _full_spec((H, H)), _full_spec((1, H))],
        out_specs=_row_spec(H),
        out_shape=jax.ShapeDtypeStruct((NACC, H), jnp.float32),
    )(u1, y1, dinv, W1, b1r)

    u2 = _adj_kernel(y2, src_p, dst_p, zrows)

    z = pl.pallas_call(
        _tc3_body,
        grid=(NBLK,),
        in_specs=[_parts_spec(H), _row_spec(H), _row_spec(1),
                  _full_spec((H, H)), _full_spec((1, H)), _row_spec(NHID)],
        out_specs=_row_spec(NHID),
        out_shape=jax.ShapeDtypeStruct((NACC, NHID), jnp.float32),
    )(u2, y2, dinv, W2, b2, eps_p)

    return z[:N]

# --- scband reference (transcript-rebuilt; emitter-appended) ---
"""Pipeline reference for scband-vgaenet-27419071218498 (READ-ONLY COPY).

The authoritative reference and input builder live on the scoring server;
editing this copy changes nothing except your own understanding.
"""

import jax, jax.numpy as jnp
import numpy as np

N = 10000
E = 320000
NFEAT = 128
NHID = 64
H = 2 * NHID  # 128
MAX_LOGSTD = 10.0


def _glorot(key, shape):
    fan_in, fan_out = shape[0], shape[1]
    limit = np.sqrt(6.0 / (fan_in + fan_out))
    return jax.random.uniform(key, shape, dtype=jnp.float32, minval=-limit, maxval=limit)


def setup_inputs(seed: int = 0) -> dict:
    key = jax.random.key(seed)
    ks = jax.random.split(key, 12)
    x = jax.random.normal(ks[0], (N, NFEAT), dtype=jnp.float32)
    edge_index = jax.random.randint(ks[1], (2, E), 0, N, dtype=jnp.int32)
    lin_W = _glorot(ks[2], (NFEAT, H))
    lin_b = jnp.zeros((H,), dtype=jnp.float32)
    W1 = _glorot(ks[3], (H, H))
    b1 = jnp.zeros((H,), dtype=jnp.float32)
    Wmu = _glorot(ks[4], (H, NHID))
    bmu = jnp.zeros((NHID,), dtype=jnp.float32)
    Wls = _glorot(ks[5], (H, NHID))
    bls = jnp.zeros((NHID,), dtype=jnp.float32)
    eps = jax.random.normal(ks[6], (N, NHID), dtype=jnp.float32)
    return {"x": x, "edge_index": edge_index, "lin_W": lin_W, "lin_b": lin_b,
            "W1": W1, "b1": b1, "Wmu": Wmu, "bmu": bmu, "Wls": Wls, "bls": bls,
            "eps": eps}


def _gcn_conv(x, src, dst, W, b):
    n = x.shape[0]
    loop = jnp.arange(n, dtype=src.dtype)
    src2 = jnp.concatenate([src, loop])
    dst2 = jnp.concatenate([dst, loop])
    deg = jnp.zeros((n,), dtype=jnp.float32).at[dst2].add(1.0)
    dinv = jnp.where(deg > 0, 1.0 / jnp.sqrt(deg), 0.0)
    norm = dinv[src2] * dinv[dst2]
    h = x @ W
    msgs = h[src2] * norm[:, None]
    out = jnp.zeros((n, W.shape[1]), dtype=jnp.float32).at[dst2].add(msgs)
    return out + b


def reference(x, edge_index, lin_W, lin_b, W1, b1, Wmu, bmu, Wls, bls, eps):
    src, dst = edge_index[0], edge_index[1]
    h = x @ lin_W + lin_b
    h = jax.nn.relu(_gcn_conv(h, src, dst, W1, b1))
    mu = _gcn_conv(h, src, dst, Wmu, bmu)
    logstd = _gcn_conv(h, src, dst, Wls, bls)
    logstd = jnp.minimum(logstd, MAX_LOGSTD)
    z = mu + eps * jnp.exp(logstd)  # reparametrize (training mode)
    return z

if __name__ == "__main__":
    import jax
    _d = setup_inputs()
    print(jax.jit(kernel)(*tuple(_d.values())))

</pallas_src>

<mosaic_0001>
#map = affine_map<(d0, d1) -> (0, 0, 0)>
#map1 = affine_map<(d0, d1) -> (0)>
module attributes {stable_mosaic.version = 14 : i64} {
  func.func @_deg_kernel(%arg0: i32, %arg1: i32, %arg2: memref<32x80x128xi32, #tpu.memory_space<hbm>>, %arg3: memref<10112xf32, #tpu.memory_space<hbm>>, %arg4: memref<32x1x10112xf32, #tpu.memory_space<hbm>>, %arg5: memref<10112xf32, #tpu.memory_space<vmem>>, %arg6: memref<80x128xi32, #tpu.memory_space<vmem>>) attributes {dimension_semantics = [#tpu.dimension_semantics<core_parallel>, #tpu.dimension_semantics<subcore_parallel>], iteration_bounds = array<i64: 2, 16>, scalar_prefetch = 0 : i64, scratch_operands = 2 : i64, tpu.core_type = #tpu.core_type<sc_vector_subcore>, window_params = [{transform_indices = #map}, {transform_indices = #map1}, {transform_indices = #map}]} {
    %mul3A = arith.constant 2 : i32
    %mul3A_0 = arith.muli %arg1, %mul3A : i32
    %add3A = arith.addi %mul3A_0, %arg0 : i32
    "tpu.region"() ({
      %run_scoped3A_7 = tpu.sem_alloc : memref<!tpu.dma_semaphore, #tpu.memory_space<semaphore_mem>>
      tpu.enqueue_dma source(%arg3 : memref<10112xf32, #tpu.memory_space<hbm>>) target(%arg5 : memref<10112xf32, #tpu.memory_space<vmem>>) target_semaphore(%run_scoped3A_7 : memref<!tpu.dma_semaphore, #tpu.memory_space<semaphore_mem>>)
      tpu.wait_dma2 semaphore(%run_scoped3A_7 : memref<!tpu.dma_semaphore, #tpu.memory_space<semaphore_mem>>) src(%arg3 : memref<10112xf32, #tpu.memory_space<hbm>>) dst(%arg5 : memref<10112xf32, #tpu.memory_space<vmem>>)
      tpu.yield
    }) : () -> ()
    "tpu.region"() ({
      %run_scoped3A_7 = tpu.sem_alloc : memref<!tpu.dma_semaphore, #tpu.memory_space<semaphore_mem>>
      %dma_start3A = arith.constant 0 : i32
      %dma_start3A_8 = arith.constant 0 : i32
      %dma_start3A_9 = tpu.memref_slice %arg2[%add3A, %dma_start3A, %dma_start3A_8] : memref<32x80x128xi32, #tpu.memory_space<hbm>> -> memref<1x80x128xi32, #tpu.memory_space<hbm>>
      %dma_start3A_10 = tpu.memref_squeeze %dma_start3A_9 : memref<1x80x128xi32, #tpu.memory_space<hbm>> -> memref<80x128xi32, #tpu.memory_space<hbm>>
      %dma_start3A_11 = arith.constant 0 : i32
      %dma_start3A_12 = arith.constant 0 : i32
      %dma_start3A_13 = tpu.memref_slice %arg2[%add3A, %dma_start3A_11, %dma_start3A_12] : memref<32x80x128xi32, #tpu.memory_space<hbm>> -> memref<1x80x128xi32, #tpu.memory_space<hbm>>
      %dma_start3A_14 = tpu.memref_squeeze %dma_start3A_13 : memref<1x80x128xi32, #tpu.memory_space<hbm>> -> memref<80x128xi32, #tpu.memory_space<hbm>>
      tpu.enqueue_dma source(%dma_start3A_14 : memref<80x128xi32, #tpu.memory_space<hbm>>) target(%arg6 : memref<80x128xi32, #tpu.memory_space<vmem>>) target_semaphore(%run_scoped3A_7 : memref<!tpu.dma_semaphore, #tpu.memory_space<semaphore_mem>>)
      %dma_wait3A = arith.constant 0 : i32
      %dma_wait3A_15 = arith.constant 0 : i32
      %dma_wait3A_16 = tpu.memref_slice %arg2[%add3A, %dma_wait3A, %dma_wait3A_15] : memref<32x80x128xi32, #tpu.memory_space<hbm>> -> memref<1x80x128xi32, #tpu.memory_space<hbm>>
      %dma_wait3A_17 = tpu.memref_squeeze %dma_wait3A_16 : memref<1x80x128xi32, #tpu.memory_space<hbm>> -> memref<80x128xi32, #tpu.memory_space<hbm>>
      %dma_wait3A_18 = arith.constant 0 : i32
      %dma_wait3A_19 = arith.constant 0 : i32
      %dma_wait3A_20 = tpu.memref_slice %arg2[%add3A, %dma_wait3A_18, %dma_wait3A_19] : memref<32x80x128xi32, #tpu.memory_space<hbm>> -> memref<1x80x128xi32, #tpu.memory_space<hbm>>
      %dma_wait3A_21 = tpu.memref_squeeze %dma_wait3A_20 : memref<1x80x128xi32, #tpu.memory_space<hbm>> -> memref<80x128xi32, #tpu.memory_space<hbm>>
      tpu.wait_dma2 semaphore(%run_scoped3A_7 : memref<!tpu.dma_semaphore, #tpu.memory_space<semaphore_mem>>) src(%dma_wait3A_21 : memref<80x128xi32, #tpu.memory_space<hbm>>) dst(%arg6 : memref<80x128xi32, #tpu.memory_space<vmem>>)
      tpu.yield
    }) : () -> ()
    %broadcast_in_dim3A = arith.constant 1.000000e+00 : f32
    %broadcast_in_dim3A_1 = vector.broadcast %broadcast_in_dim3A : f32 to vector<16xf32>
    %scan3A = arith.constant 0 : i32
    %scan3A_2 = arith.constant 0 : i32
    %scan3A_3 = arith.constant 80 : i32
    %scan3A_4 = arith.addi %scan3A_2, %scan3A_3 : i32
    %scan3A_5 = arith.constant 1 : i32
    scf.for %scan3A_7 = %scan3A_2 to %scan3A_4 step %scan3A_5  : i32 {
      %get3A = arith.index_cast %scan3A_7 : i32 to index
      %get3A_8 = arith.constant 0 : index
      %get3A_9 = tpu.vector_load %arg6[%get3A, %get3A_8] {strides = array<i32>} : memref<80x128xi32, #tpu.memory_space<vmem>>, vector<16xi32>,
      tpu.vector_store_idx %arg5[%get3A_9], %broadcast_in_dim3A_1 {add = true} : memref<10112xf32, #tpu.memory_space<vmem>>[vector<16xi32>], vector<16xf32>,
      %get3A_10 = arith.index_cast %scan3A_7 : i32 to index
      %get3A_11 = arith.constant 16 : index
      %get3A_12 = tpu.vector_load %arg6[%get3A_10, %get3A_11] {strides = array<i32>} : memref<80x128xi32, #tpu.memory_space<vmem>>, vector<16xi32>,
      tpu.vector_store_idx %arg5[%get3A_12], %broadcast_in_dim3A_1 {add = true} : memref<10112xf32, #tpu.memory_space<vmem>>[vector<16xi32>], vector<16xf32>,
      %get3A_13 = arith.index_cast %scan3A_7 : i32 to index
      %get3A_14 = arith.constant 32 : index
      %get3A_15 = tpu.vector_load %arg6[%get3A_13, %get3A_14] {strides = array<i32>} : memref<80x128xi32, #tpu.memory_space<vmem>>, vector<16xi32>,
      tpu.vector_store_idx %arg5[%get3A_15], %broadcast_in_dim3A_1 {add = true} : memref<10112xf32, #tpu.memory_space<vmem>>[vector<16xi32>], vector<16xf32>,
      %get3A_16 = arith.index_cast %scan3A_7 : i32 to index
      %get3A_17 = arith.constant 48 : index
      %get3A_18 = tpu.vector_load %arg6[%get3A_16, %get3A_17] {strides = array<i32>} : memref<80x128xi32, #tpu.memory_space<vmem>>, vector<16xi32>,
      tpu.vector_store_idx %arg5[%get3A_18], %broadcast_in_dim3A_1 {add = true} : memref<10112xf32, #tpu.memory_space<vmem>>[vector<16xi32>], vector<16xf32>,
      %get3A_19 = arith.index_cast %scan3A_7 : i32 to index
      %get3A_20 = arith.constant 64 : index
      %get3A_21 = tpu.vector_load %arg6[%get3A_19, %get3A_20] {strides = array<i32>} : memref<80x128xi32, #tpu.memory_space<vmem>>, vector<16xi32>,
      tpu.vector_store_idx %arg5[%get3A_21], %broadcast_in_dim3A_1 {add = true} : memref<10112xf32, #tpu.memory_space<vmem>>[vector<16xi32>], vector<16xf32>,
      %get3A_22 = arith.index_cast %scan3A_7 : i32 to index
      %get3A_23 = arith.constant 80 : index
      %get3A_24 = tpu.vector_load %arg6[%get3A_22, %get3A_23] {strides = array<i32>} : memref<80x128xi32, #tpu.memory_space<vmem>>, vector<16xi32>,
      tpu.vector_store_idx %arg5[%get3A_24], %broadcast_in_dim3A_1 {add = true} : memref<10112xf32, #tpu.memory_space<vmem>>[vector<16xi32>], vector<16xf32>,
      %get3A_25 = arith.index_cast %scan3A_7 : i32 to index
      %get3A_26 = arith.constant 96 : index
      %get3A_27 = tpu.vector_load %arg6[%get3A_25, %get3A_26] {strides = array<i32>} : memref<80x128xi32, #tpu.memory_space<vmem>>, vector<16xi32>,
      tpu.vector_store_idx %arg5[%get3A_27], %broadcast_in_dim3A_1 {add = true} : memref<10112xf32, #tpu.memory_space<vmem>>[vector<16xi32>], vector<16xf32>,
      %get3A_28 = arith.index_cast %scan3A_7 : i32 to index
      %get3A_29 = arith.constant 112 : index
      %get3A_30 = tpu.vector_load %arg6[%get3A_28, %get3A_29] {strides = array<i32>} : memref<80x128xi32, #tpu.memory_space<vmem>>, vector<16xi32>,
      tpu.vector_store_idx %arg5[%get3A_30], %broadcast_in_dim3A_1 {add = true} : memref<10112xf32, #tpu.memory_space<vmem>>[vector<16xi32>], vector<16xf32>,
    }
    %scan3A_6 = arith.constant 80 : i32
    %run_scoped3A = arith.constant 0 : i32
    "tpu.region"() ({
      %run_scoped3A_7 = tpu.sem_alloc : memref<!tpu.dma_semaphore, #tpu.memory_space<semaphore_mem>>
      %dma_start3A = arith.constant 0 : i32
      %dma_start3A_8 = tpu.memref_slice %arg4[%add3A, %run_scoped3A, %dma_start3A] : memref<32x1x10112xf32, #tpu.memory_space<hbm>> -> memref<1x1x10112xf32, #tpu.memory_space<hbm>>
      %dma_start3A_9 = tpu.memref_squeeze %dma_start3A_8 : memref<1x1x10112xf32, #tpu.memory_space<hbm>> -> memref<10112xf32, #tpu.memory_space<hbm>>
      %dma_start3A_10 = arith.constant 0 : i32
      %dma_start3A_11 = tpu.memref_slice %arg4[%add3A, %run_scoped3A, %dma_start3A_10] : memref<32x1x10112xf32, #tpu.memory_space<hbm>> -> memref<1x1x10112xf32, #tpu.memory_space<hbm>>
      %dma_start3A_12 = tpu.memref_squeeze %dma_start3A_11 : memref<1x1x10112xf32, #tpu.memory_space<hbm>> -> memref<10112xf32, #tpu.memory_space<hbm>>
      tpu.enqueue_dma source(%arg5 : memref<10112xf32, #tpu.memory_space<vmem>>) target(%dma_start3A_12 : memref<10112xf32, #tpu.memory_space<hbm>>) target_semaphore(%run_scoped3A_7 : memref<!tpu.dma_semaphore, #tpu.memory_space<semaphore_mem>>)
      %dma_wait3A = arith.constant 0 : i32
      %dma_wait3A_13 = tpu.memref_slice %arg4[%add3A, %run_scoped3A, %dma_wait3A] : memref<32x1x10112xf32, #tpu.memory_space<hbm>> -> memref<1x1x10112xf32, #tpu.memory_space<hbm>>
      %dma_wait3A_14 = tpu.memref_squeeze %dma_wait3A_13 : memref<1x1x10112xf32, #tpu.memory_space<hbm>> -> memref<10112xf32, #tpu.memory_space<hbm>>
      %dma_wait3A_15 = arith.constant 0 : i32
      %dma_wait3A_16 = tpu.memref_slice %arg4[%add3A, %run_scoped3A, %dma_wait3A_15] : memref<32x1x10112xf32, #tpu.memory_space<hbm>> -> memref<1x1x10112xf32, #tpu.memory_space<hbm>>
      %dma_wait3A_17 = tpu.memref_squeeze %dma_wait3A_16 : memref<1x1x10112xf32, #tpu.memory_space<hbm>> -> memref<10112xf32, #tpu.memory_space<hbm>>
      tpu.wait_dma2 semaphore(%run_scoped3A_7 : memref<!tpu.dma_semaphore, #tpu.memory_space<semaphore_mem>>) src(%arg5 : memref<10112xf32, #tpu.memory_space<vmem>>) dst(%dma_wait3A_17 : memref<10112xf32, #tpu.memory_space<hbm>>)
      tpu.yield
    }) : () -> ()
    return
  }
}

#map = affine_map<(d0, d1) -> (0, 0)>
#map1 = affine_map<(d0, d1) -> (0, 0, 0)>
module attributes {stable_mosaic.version = 14 : i64} {
  func.func @_adj_kernel(%arg0: i32, %arg1: i32, %arg2: memref<10112x128xf32, #tpu.memory_space<hbm>>, %arg3: memref<32x80x128xi32, #tpu.memory_space<hbm>>, %arg4: memref<32x80x128xi32, #tpu.memory_space<hbm>>, %arg5: memref<632x128xf32, #tpu.memory_space<hbm>>, %arg6: memref<2x10112x128xf32, #tpu.memory_space<hbm>>, %arg7: memref<10112x128xf32, #tpu.memory_space<vmem_shared>>, %arg8: memref<40x128xi32, #tpu.memory_space<vmem>>, %arg9: memref<40x128xi32, #tpu.memory_space<vmem>>, %arg10: memref<2x128x128xf32, #tpu.memory_space<vmem>>, %arg11: memref<!tpu.dma_semaphore, #tpu.memory_space<semaphore_mem>>, %arg12: memref<!tpu.dma_semaphore, #tpu.memory_space<semaphore_mem>>, %arg13: memref<!tpu.dma_semaphore, #tpu.memory_space<semaphore_mem>>, %arg14: memref<!tpu.dma_semaphore, #tpu.memory_space<semaphore_mem>>) attributes {dimension_semantics = [#tpu.dimension_semantics<core_parallel>, #tpu.dimension_semantics<subcore_parallel>], iteration_bounds = array<i64: 2, 16>, scalar_prefetch = 0 : i64, scratch_operands = 8 : i64, tpu.core_type = #tpu.core_type<sc_vector_subcore>, window_params = [{transform_indices = #map}, {transform_indices = #map1}, {transform_indices = #map1}, {transform_indices = #map}, {transform_indices = #map1}]} {
    %mul3A = arith.constant 2 : i32
    %mul3A_0 = arith.muli %arg1, %mul3A : i32
    %add3A = arith.addi %mul3A_0, %arg0 : i32
    %mul3A_1 = arith.constant 632 : i32
    %mul3A_2 = arith.muli %arg1, %mul3A_1 : i32
    "tpu.region"() ({
      %run_scoped3A = tpu.sem_alloc : memref<!tpu.dma_semaphore, #tpu.memory_space<semaphore_mem>>
      %dma_start3A_66 = arith.constant 0 : i32
      %dma_start3A_67 = tpu.memref_slice %arg7[%mul3A_2, %dma_start3A_66] : memref<10112x128xf32, #tpu.memory_space<vmem_shared>> -> memref<632x128xf32, #tpu.memory_space<vmem_shared>>
      tpu.enqueue_dma source(%arg5 : memref<632x128xf32, #tpu.memory_space<hbm>>) target(%dma_start3A_67 : memref<632x128xf32, #tpu.memory_space<vmem_shared>>) target_semaphore(%run_scoped3A : memref<!tpu.dma_semaphore, #tpu.memory_space<semaphore_mem>>)
      %dma_wait3A = arith.constant 0 : i32
      %dma_wait3A_68 = tpu.memref_slice %arg7[%mul3A_2, %dma_wait3A] : memref<10112x128xf32, #tpu.memory_space<vmem_shared>> -> memref<632x128xf32, #tpu.memory_space<vmem_shared>>
      tpu.wait_dma2 semaphore(%run_scoped3A : memref<!tpu.dma_semaphore, #tpu.memory_space<semaphore_mem>>) src(%arg5 : memref<632x128xf32, #tpu.memory_space<hbm>>) dst(%dma_wait3A_68 : memref<632x128xf32, #tpu.memory_space<vmem_shared>>)
      tpu.yield
    }) : () -> ()
    %barrier3A = arith.constant 0 : index
    tpu.barrier barrier_id(%barrier3A)
    "tpu.region"() ({
      %run_scoped3A = tpu.sem_alloc : memref<!tpu.dma_semaphore, #tpu.memory_space<semaphore_mem>>
      %dma_start3A_66 = arith.constant 0 : i32
      %dma_start3A_67 = arith.constant 0 : i32
      %dma_start3A_68 = tpu.memref_slice %arg3[%add3A, %dma_start3A_66, %dma_start3A_67] : memref<32x80x128xi32, #tpu.memory_space<hbm>> -> memref<1x40x128xi32, #tpu.memory_space<hbm>>
      %dma_start3A_69 = tpu.memref_squeeze %dma_start3A_68 : memref<1x40x128xi32, #tpu.memory_space<hbm>> -> memref<40x128xi32, #tpu.memory_space<hbm>>
      %dma_start3A_70 = arith.constant 0 : i32
      %dma_start3A_71 = arith.constant 0 : i32
      %dma_start3A_72 = tpu.memref_slice %arg3[%add3A, %dma_start3A_70, %dma_start3A_71] : memref<32x80x128xi32, #tpu.memory_space<hbm>> -> memref<1x40x128xi32, #tpu.memory_space<hbm>>
      %dma_start3A_73 = tpu.memref_squeeze %dma_start3A_72 : memref<1x40x128xi32, #tpu.memory_space<hbm>> -> memref<40x128xi32, #tpu.memory_space<hbm>>
      tpu.enqueue_dma source(%dma_start3A_73 : memref<40x128xi32, #tpu.memory_space<hbm>>) target(%arg8 : memref<40x128xi32, #tpu.memory_space<vmem>>) target_semaphore(%run_scoped3A : memref<!tpu.dma_semaphore, #tpu.memory_space<semaphore_mem>>)
      %dma_wait3A = arith.constant 0 : i32
      %dma_wait3A_74 = arith.constant 0 : i32
      %dma_wait3A_75 = tpu.memref_slice %arg3[%add3A, %dma_wait3A, %dma_wait3A_74] : memref<32x80x128xi32, #tpu.memory_space<hbm>> -> memref<1x40x128xi32, #tpu.memory_space<hbm>>
      %dma_wait3A_76 = tpu.memref_squeeze %dma_wait3A_75 : memref<1x40x128xi32, #tpu.memory_space<hbm>> -> memref<40x128xi32, #tpu.memory_space<hbm>>
      %dma_wait3A_77 = arith.constant 0 : i32
      %dma_wait3A_78 = arith.constant 0 : i32
      %dma_wait3A_79 = tpu.memref_slice %arg3[%add3A, %dma_wait3A_77, %dma_wait3A_78] : memref<32x80x128xi32, #tpu.memory_space<hbm>> -> memref<1x40x128xi32, #tpu.memory_space<hbm>>
      %dma_wait3A_80 = tpu.memref_squeeze %dma_wait3A_79 : memref<1x40x128xi32, #tpu.memory_space<hbm>> -> memref<40x128xi32, #tpu.memory_space<hbm>>
      tpu.wait_dma2 semaphore(%run_scoped3A : memref<!tpu.dma_semaphore, #tpu.memory_space<semaphore_mem>>) src(%dma_wait3A_80 : memref<40x128xi32, #tpu.memory_space<hbm>>) dst(%arg8 : memref<40x128xi32, #tpu.memory_space<vmem>>)
      tpu.yield
    }) : () -> ()
    "tpu.region"() ({
      %run_scoped3A = tpu.sem_alloc : memref<!tpu.dma_semaphore, #tpu.memory_space<semaphore_mem>>
      %dma_start3A_66 = arith.constant 0 : i32
      %dma_start3A_67 = arith.constant 0 : i32
      %dma_start3A_68 = tpu.memref_slice %arg4[%add3A, %dma_start3A_66, %dma_start3A_67] : memref<32x80x128xi32, #tpu.memory_space<hbm>> -> memref<1x40x128xi32, #tpu.memory_space<hbm>>
      %dma_start3A_69 = tpu.memref_squeeze %dma_start3A_68 : memref<1x40x128xi32, #tpu.memory_space<hbm>> -> memref<40x128xi32, #tpu.memory_space<hbm>>
      %dma_start3A_70 = arith.constant 0 : i32
      %dma_start3A_71 = arith.constant 0 : i32
      %dma_start3A_72 = tpu.memref_slice %arg4[%add3A, %dma_start3A_70, %dma_start3A_71] : memref<32x80x128xi32, #tpu.memory_space<hbm>> -> memref<1x40x128xi32, #tpu.memory_space<hbm>>
      %dma_start3A_73 = tpu.memref_squeeze %dma_start3A_72 : memref<1x40x128xi32, #tpu.memory_space<hbm>> -> memref<40x128xi32, #tpu.memory_space<hbm>>
      tpu.enqueue_dma source(%dma_start3A_73 : memref<40x128xi32, #tpu.memory_space<hbm>>) target(%arg9 : memref<40x128xi32, #tpu.memory_space<vmem>>) target_semaphore(%run_scoped3A : memref<!tpu.dma_semaphore, #tpu.memory_space<semaphore_mem>>)
      %dma_wait3A = arith.constant 0 : i32
      %dma_wait3A_74 = arith.constant 0 : i32
      %dma_wait3A_75 = tpu.memref_slice %arg4[%add3A, %dma_wait3A, %dma_wait3A_74] : memref<32x80x128xi32, #tpu.memory_space<hbm>> -> memref<1x40x128xi32, #tpu.memory_space<hbm>>
      %dma_wait3A_76 = tpu.memref_squeeze %dma_wait3A_75 : memref<1x40x128xi32, #tpu.memory_space<hbm>> -> memref<40x128xi32, #tpu.memory_space<hbm>>
      %dma_wait3A_77 = arith.constant 0 : i32
      %dma_wait3A_78 = arith.constant 0 : i32
      %dma_wait3A_79 = tpu.memref_slice %arg4[%add3A, %dma_wait3A_77, %dma_wait3A_78] : memref<32x80x128xi32, #tpu.memory_space<hbm>> -> memref<1x40x128xi32, #tpu.memory_space<hbm>>
      %dma_wait3A_80 = tpu.memref_squeeze %dma_wait3A_79 : memref<1x40x128xi32, #tpu.memory_space<hbm>> -> memref<40x128xi32, #tpu.memory_space<hbm>>
      tpu.wait_dma2 semaphore(%run_scoped3A : memref<!tpu.dma_semaphore, #tpu.memory_space<semaphore_mem>>) src(%dma_wait3A_80 : memref<40x128xi32, #tpu.memory_space<hbm>>) dst(%arg9 : memref<40x128xi32, #tpu.memory_space<vmem>>)
      tpu.yield
    }) : () -> ()
    %dma_start3A = arith.constant 0 : i32
    %dma_start3A_3 = arith.constant 0 : i32
    %dma_start3A_4 = arith.constant 0 : i32
    %dma_start3A_5 = arith.constant 0 : i32
    %dma_start3A_6 = tpu.memref_slice %arg10[%dma_start3A_3, %dma_start3A_4, %dma_start3A_5] : memref<2x128x128xf32, #tpu.memory_space<vmem>> -> memref<1x128x128xf32, #tpu.memory_space<vmem>>
    %dma_start3A_7 = tpu.memref_squeeze %dma_start3A_6 : memref<1x128x128xf32, #tpu.memory_space<vmem>> -> memref<128x128xf32, #tpu.memory_space<vmem>>
    %dma_start3A_8 = arith.constant 0 : i32
    %dma_start3A_9 = tpu.memref_slice %arg8[%dma_start3A, %dma_start3A_8] : memref<40x128xi32, #tpu.memory_space<vmem>> -> memref<1x128xi32, #tpu.memory_space<vmem>>
    %dma_start3A_10 = tpu.memref_squeeze %dma_start3A_9 : memref<1x128xi32, #tpu.memory_space<vmem>> -> memref<128xi32, #tpu.memory_space<vmem>>
    %dma_start3A_11 = arith.constant 0 : i32
    %dma_start3A_12 = arith.constant 0 : i32
    %dma_start3A_13 = tpu.memref_slice %arg2[%dma_start3A_11, %dma_start3A_12] : memref<10112x128xf32, #tpu.memory_space<hbm>> -> memref<10112x128xf32, #tpu.memory_space<hbm>>
    tpu.enqueue_indirect_dma source(%dma_start3A_13 : memref<10112x128xf32, #tpu.memory_space<hbm>>) target(%dma_start3A_7 : memref<128x128xf32, #tpu.memory_space<vmem>>) offsets(%dma_start3A_10 : memref<128xi32, #tpu.memory_space<vmem>>) semaphore(%arg11 : memref<!tpu.dma_semaphore, #tpu.memory_space<semaphore_mem>>)
    %dma_start3A_14 = arith.constant 1 : i32
    %dma_start3A_15 = arith.constant 1 : i32
    %dma_start3A_16 = arith.constant 0 : i32
    %dma_start3A_17 = arith.constant 0 : i32
    %dma_start3A_18 = tpu.memref_slice %arg10[%dma_start3A_15, %dma_start3A_16, %dma_start3A_17] : memref<2x128x128xf32, #tpu.memory_space<vmem>> -> memref<1x128x128xf32, #tpu.memory_space<vmem>>
    %dma_start3A_19 = tpu.memref_squeeze %dma_start3A_18 : memref<1x128x128xf32, #tpu.memory_space<vmem>> -> memref<128x128xf32, #tpu.memory_space<vmem>>
    %dma_start3A_20 = arith.constant 0 : i32
    %dma_start3A_21 = tpu.memref_slice %arg8[%dma_start3A_14, %dma_start3A_20] : memref<40x128xi32, #tpu.memory_space<vmem>> -> memref<1x128xi32, #tpu.memory_space<vmem>>
    %dma_start3A_22 = tpu.memref_squeeze %dma_start3A_21 : memref<1x128xi32, #tpu.memory_space<vmem>> -> memref<128xi32, #tpu.memory_space<vmem>>
    %dma_start3A_23 = arith.constant 0 : i32
    %dma_start3A_24 = arith.constant 0 : i32
    %dma_start3A_25 = tpu.memref_slice %arg2[%dma_start3A_23, %dma_start3A_24] : memref<10112x128xf32, #tpu.memory_space<hbm>> -> memref<10112x128xf32, #tpu.memory_space<hbm>>
    tpu.enqueue_indirect_dma source(%dma_start3A_25 : memref<10112x128xf32, #tpu.memory_space<hbm>>) target(%dma_start3A_19 : memref<128x128xf32, #tpu.memory_space<vmem>>) offsets(%dma_start3A_22 : memref<128xi32, #tpu.memory_space<vmem>>) semaphore(%arg12 : memref<!tpu.dma_semaphore, #tpu.memory_space<semaphore_mem>>)
    %scan3A = arith.constant 0 : i32
    %scan3A_26 = arith.constant 0 : i32
    %scan3A_27 = arith.constant 20 : i32
    %scan3A_28 = arith.addi %scan3A_26, %scan3A_27 : i32
    %scan3A_29 = arith.constant 1 : i32
    scf.for %scan3A_66 = %scan3A_26 to %scan3A_28 step %scan3A_29  : i32 {
      %mul3A_67 = arith.constant 2 : i32
      %mul3A_68 = arith.muli %scan3A_66, %mul3A_67 : i32
      %add3A_69 = arith.constant 0 : i32
      %add3A_70 = arith.addi %mul3A_68, %add3A_69 : i32
      %dma_wait3A = arith.constant 0 : i32
      %dma_wait3A_71 = arith.constant 0 : i32
      %dma_wait3A_72 = arith.constant 0 : i32
      %dma_wait3A_73 = tpu.memref_slice %arg10[%dma_wait3A, %dma_wait3A_71, %dma_wait3A_72] : memref<2x128x128xf32, #tpu.memory_space<vmem>> -> memref<1x128x128xf32, #tpu.memory_space<vmem>>
      %dma_wait3A_74 = tpu.memref_squeeze %dma_wait3A_73 : memref<1x128x128xf32, #tpu.memory_space<vmem>> -> memref<128x128xf32, #tpu.memory_space<vmem>>
      %dma_wait3A_75 = arith.constant 0 : i32
      %dma_wait3A_76 = tpu.memref_slice %arg8[%add3A_70, %dma_wait3A_75] : memref<40x128xi32, #tpu.memory_space<vmem>> -> memref<1x128xi32, #tpu.memory_space<vmem>>
      %dma_wait3A_77 = tpu.memref_squeeze %dma_wait3A_76 : memref<1x128xi32, #tpu.memory_space<vmem>> -> memref<128xi32, #tpu.memory_space<vmem>>
      %dma_wait3A_78 = arith.constant 0 : i32
      %dma_wait3A_79 = arith.constant 0 : i32
      %dma_wait3A_80 = tpu.memref_slice %arg2[%dma_wait3A_78, %dma_wait3A_79] : memref<10112x128xf32, #tpu.memory_space<hbm>> -> memref<10112x128xf32, #tpu.memory_space<hbm>>
      tpu.wait_indirect_dma semaphore(%arg11 : memref<!tpu.dma_semaphore, #tpu.memory_space<semaphore_mem>>) src(%dma_wait3A_80 : memref<10112x128xf32, #tpu.memory_space<hbm>>) dst(%dma_wait3A_74 : memref<128x128xf32, #tpu.memory_space<vmem>>)
      %run_scoped3A = arith.constant 0 : i32
      "tpu.region"() ({
        %run_scoped3A_108 = tpu.sem_alloc : memref<!tpu.dma_semaphore, #tpu.memory_space<semaphore_mem>>
        %dma_start3A_109 = arith.constant 0 : i32
        %dma_start3A_110 = arith.constant 0 : i32
        %dma_start3A_111 = tpu.memref_slice %arg10[%run_scoped3A, %dma_start3A_109, %dma_start3A_110] : memref<2x128x128xf32, #tpu.memory_space<vmem>> -> memref<1x128x128xf32, #tpu.memory_space<vmem>>
        %dma_start3A_112 = tpu.memref_squeeze %dma_start3A_111 : memref<1x128x128xf32, #tpu.memory_space<vmem>> -> memref<128x128xf32, #tpu.memory_space<vmem>>
        %dma_start3A_113 = arith.constant 0 : i32
        %dma_start3A_114 = tpu.memref_slice %arg9[%add3A_70, %dma_start3A_113] : memref<40x128xi32, #tpu.memory_space<vmem>> -> memref<1x128xi32, #tpu.memory_space<vmem>>
        %dma_start3A_115 = tpu.memref_squeeze %dma_start3A_114 : memref<1x128xi32, #tpu.memory_space<vmem>> -> memref<128xi32, #tpu.memory_space<vmem>>
        %dma_start3A_116 = arith.constant 0 : i32
        %dma_start3A_117 = arith.constant 0 : i32
        %dma_start3A_118 = tpu.memref_slice %arg7[%dma_start3A_116, %dma_start3A_117] : memref<10112x128xf32, #tpu.memory_space<vmem_shared>> -> memref<10112x128xf32, #tpu.memory_space<vmem_shared>>
        tpu.enqueue_indirect_dma source(%dma_start3A_112 : memref<128x128xf32, #tpu.memory_space<vmem>>) target(%dma_start3A_118 : memref<10112x128xf32, #tpu.memory_space<vmem_shared>>) offsets(%dma_start3A_115 : memref<128xi32, #tpu.memory_space<vmem>>) semaphore(%run_scoped3A_108 : memref<!tpu.dma_semaphore, #tpu.memory_space<semaphore_mem>>) {add = true}
        %dma_wait3A_119 = arith.constant 0 : i32
        %dma_wait3A_120 = arith.constant 0 : i32
        %dma_wait3A_121 = tpu.memref_slice %arg10[%run_scoped3A, %dma_wait3A_119, %dma_wait3A_120] : memref<2x128x128xf32, #tpu.memory_space<vmem>> -> memref<1x128x128xf32, #tpu.memory_space<vmem>>
        %dma_wait3A_122 = tpu.memref_squeeze %dma_wait3A_121 : memref<1x128x128xf32, #tpu.memory_space<vmem>> -> memref<128x128xf32, #tpu.memory_space<vmem>>
        %dma_wait3A_123 = arith.constant 0 : i32
        %dma_wait3A_124 = tpu.memref_slice %arg9[%add3A_70, %dma_wait3A_123] : memref<40x128xi32, #tpu.memory_space<vmem>> -> memref<1x128xi32, #tpu.memory_space<vmem>>
        %dma_wait3A_125 = tpu.memref_squeeze %dma_wait3A_124 : memref<1x128xi32, #tpu.memory_space<vmem>> -> memref<128xi32, #tpu.memory_space<vmem>>
        %dma_wait3A_126 = arith.constant 0 : i32
        %dma_wait3A_127 = arith.constant 0 : i32
        %dma_wait3A_128 = tpu.memref_slice %arg7[%dma_wait3A_126, %dma_wait3A_127] : memref<10112x128xf32, #tpu.memory_space<vmem_shared>> -> memref<10112x128xf32, #tpu.memory_space<vmem_shared>>
        tpu.wait_indirect_dma semaphore(%run_scoped3A_108 : memref<!tpu.dma_semaphore, #tpu.memory_space<semaphore_mem>>) src(%dma_wait3A_122 : memref<128x128xf32, #tpu.memory_space<vmem>>) dst(%dma_wait3A_128 : memref<10112x128xf32, #tpu.memory_space<vmem_shared>>)
        tpu.yield
      }) : () -> ()
      %add3A_81 = arith.constant 2 : i32
      %add3A_82 = arith.addi %add3A_70, %add3A_81 : i32
      %lt3A = arith.constant 40 : i32
      %lt3A_83 = arith.cmpi slt, %add3A_82, %lt3A : i32
      %convert_element_type3A = arith.extui %lt3A_83 : i1 to i32
      %cond3A = arith.constant 0 : i32
      %cond3A_84 = arith.cmpi ne, %convert_element_type3A, %cond3A : i32
      scf.if %cond3A_84 {
        %add3A_108 = arith.constant 2 : i32
        %add3A_109 = arith.addi %add3A_70, %add3A_108 : i32
        %dma_start3A_110 = arith.constant 0 : i32
        %dma_start3A_111 = arith.constant 0 : i32
        %dma_start3A_112 = arith.constant 0 : i32
        %dma_start3A_113 = tpu.memref_slice %arg10[%dma_start3A_110, %dma_start3A_111, %dma_start3A_112] : memref<2x128x128xf32, #tpu.memory_space<vmem>> -> memref<1x128x128xf32, #tpu.memory_space<vmem>>
        %dma_start3A_114 = tpu.memref_squeeze %dma_start3A_113 : memref<1x128x128xf32, #tpu.memory_space<vmem>> -> memref<128x128xf32, #tpu.memory_space<vmem>>
        %dma_start3A_115 = arith.constant 0 : i32
        %dma_start3A_116 = tpu.memref_slice %arg8[%add3A_109, %dma_start3A_115] : memref<40x128xi32, #tpu.memory_space<vmem>> -> memref<1x128xi32, #tpu.memory_space<vmem>>
        %dma_start3A_117 = tpu.memref_squeeze %dma_start3A_116 : memref<1x128xi32, #tpu.memory_space<vmem>> -> memref<128xi32, #tpu.memory_space<vmem>>
        %dma_start3A_118 = arith.constant 0 : i32
        %dma_start3A_119 = arith.constant 0 : i32
        %dma_start3A_120 = tpu.memref_slice %arg2[%dma_start3A_118, %dma_start3A_119] : memref<10112x128xf32, #tpu.memory_space<hbm>> -> memref<10112x128xf32, #tpu.memory_space<hbm>>
        tpu.enqueue_indirect_dma source(%dma_start3A_120 : memref<10112x128xf32, #tpu.memory_space<hbm>>) target(%dma_start3A_114 : memref<128x128xf32, #tpu.memory_space<vmem>>) offsets(%dma_start3A_117 : memref<128xi32, #tpu.memory_space<vmem>>) semaphore(%arg11 : memref<!tpu.dma_semaphore, #tpu.memory_space<semaphore_mem>>)
      } else {
      }
      %mul3A_85 = arith.constant 2 : i32
      %mul3A_86 = arith.muli %scan3A_66, %mul3A_85 : i32
      %add3A_87 = arith.constant 1 : i32
      %add3A_88 = arith.addi %mul3A_86, %add3A_87 : i32
      %dma_wait3A_89 = arith.constant 1 : i32
      %dma_wait3A_90 = arith.constant 0 : i32
      %dma_wait3A_91 = arith.constant 0 : i32
      %dma_wait3A_92 = tpu.memref_slice %arg10[%dma_wait3A_89, %dma_wait3A_90, %dma_wait3A_91] : memref<2x128x128xf32, #tpu.memory_space<vmem>> -> memref<1x128x128xf32, #tpu.memory_space<vmem>>
      %dma_wait3A_93 = tpu.memref_squeeze %dma_wait3A_92 : memref<1x128x128xf32, #tpu.memory_space<vmem>> -> memref<128x128xf32, #tpu.memory_space<vmem>>
      %dma_wait3A_94 = arith.constant 0 : i32
      %dma_wait3A_95 = tpu.memref_slice %arg8[%add3A_88, %dma_wait3A_94] : memref<40x128xi32, #tpu.memory_space<vmem>> -> memref<1x128xi32, #tpu.memory_space<vmem>>
      %dma_wait3A_96 = tpu.memref_squeeze %dma_wait3A_95 : memref<1x128xi32, #tpu.memory_space<vmem>> -> memref<128xi32, #tpu.memory_space<vmem>>
      %dma_wait3A_97 = arith.constant 0 : i32
      %dma_wait3A_98 = arith.constant 0 : i32
      %dma_wait3A_99 = tpu.memref_slice %arg2[%dma_wait3A_97, %dma_wait3A_98] : memref<10112x128xf32, #tpu.memory_space<hbm>> -> memref<10112x128xf32, #tpu.memory_space<hbm>>
      tpu.wait_indirect_dma semaphore(%arg12 : memref<!tpu.dma_semaphore, #tpu.memory_space<semaphore_mem>>) src(%dma_wait3A_99 : memref<10112x128xf32, #tpu.memory_space<hbm>>) dst(%dma_wait3A_93 : memref<128x128xf32, #tpu.memory_space<vmem>>)
      %run_scoped3A_100 = arith.constant 1 : i32
      "tpu.region"() ({
        %run_scoped3A_108 = tpu.sem_alloc : memref<!tpu.dma_semaphore, #tpu.memory_space<semaphore_mem>>
        %dma_start3A_109 = arith.constant 0 : i32
        %dma_start3A_110 = arith.constant 0 : i32
        %dma_start3A_111 = tpu.memref_slice %arg10[%run_scoped3A_100, %dma_start3A_109, %dma_start3A_110] : memref<2x128x128xf32, #tpu.memory_space<vmem>> -> memref<1x128x128xf32, #tpu.memory_space<vmem>>
        %dma_start3A_112 = tpu.memref_squeeze %dma_start3A_111 : memref<1x128x128xf32, #tpu.memory_space<vmem>> -> memref<128x128xf32, #tpu.memory_space<vmem>>
        %dma_start3A_113 = arith.constant 0 : i32
        %dma_start3A_114 = tpu.memref_slice %arg9[%add3A_88, %dma_start3A_113] : memref<40x128xi32, #tpu.memory_space<vmem>> -> memref<1x128xi32, #tpu.memory_space<vmem>>
        %dma_start3A_115 = tpu.memref_squeeze %dma_start3A_114 : memref<1x128xi32, #tpu.memory_space<vmem>> -> memref<128xi32, #tpu.memory_space<vmem>>
        %dma_start3A_116 = arith.constant 0 : i32
        %dma_start3A_117 = arith.constant 0 : i32
        %dma_start3A_118 = tpu.memref_slice %arg7[%dma_start3A_116, %dma_start3A_117] : memref<10112x128xf32, #tpu.memory_space<vmem_shared>> -> memref<10112x128xf32, #tpu.memory_space<vmem_shared>>
        tpu.enqueue_indirect_dma source(%dma_start3A_112 : memref<128x128xf32, #tpu.memory_space<vmem>>) target(%dma_start3A_118 : memref<10112x128xf32, #tpu.memory_space<vmem_shared>>) offsets(%dma_start3A_115 : memref<128xi32, #tpu.memory_space<vmem>>) semaphore(%run_scoped3A_108 : memref<!tpu.dma_semaphore, #tpu.memory_space<semaphore_mem>>) {add = true}
        %dma_wait3A_119 = arith.constant 0 : i32
        %dma_wait3A_120 = arith.constant 0 : i32
        %dma_wait3A_121 = tpu.memref_slice %arg10[%run_scoped3A_100, %dma_wait3A_119, %dma_wait3A_120] : memref<2x128x128xf32, #tpu.memory_space<vmem>> -> memref<1x128x128xf32, #tpu.memory_space<vmem>>
        %dma_wait3A_122 = tpu.memref_squeeze %dma_wait3A_121 : memref<1x128x128xf32, #tpu.memory_space<vmem>> -> memref<128x128xf32, #tpu.memory_space<vmem>>
        %dma_wait3A_123 = arith.constant 0 : i32
        %dma_wait3A_124 = tpu.memref_slice %arg9[%add3A_88, %dma_wait3A_123] : memref<40x128xi32, #tpu.memory_space<vmem>> -> memref<1x128xi32, #tpu.memory_space<vmem>>
        %dma_wait3A_125 = tpu.memref_squeeze %dma_wait3A_124 : memref<1x128xi32, #tpu.memory_space<vmem>> -> memref<128xi32, #tpu.memory_space<vmem>>
        %dma_wait3A_126 = arith.constant 0 : i32
        %dma_wait3A_127 = arith.constant 0 : i32
        %dma_wait3A_128 = tpu.memref_slice %arg7[%dma_wait3A_126, %dma_wait3A_127] : memref<10112x128xf32, #tpu.memory_space<vmem_shared>> -> memref<10112x128xf32, #tpu.memory_space<vmem_shared>>
        tpu.wait_indirect_dma semaphore(%run_scoped3A_108 : memref<!tpu.dma_semaphore, #tpu.memory_space<semaphore_mem>>) src(%dma_wait3A_122 : memref<128x128xf32, #tpu.memory_space<vmem>>) dst(%dma_wait3A_128 : memref<10112x128xf32, #tpu.memory_space<vmem_shared>>)
        tpu.yield
      }) : () -> ()
      %add3A_101 = arith.constant 2 : i32
      %add3A_102 = arith.addi %add3A_88, %add3A_101 : i32
      %lt3A_103 = arith.constant 40 : i32
      %lt3A_104 = arith.cmpi slt, %add3A_102, %lt3A_103 : i32
      %convert_element_type3A_105 = arith.extui %lt3A_104 : i1 to i32
      %cond3A_106 = arith.constant 0 : i32
      %cond3A_107 = arith.cmpi ne, %convert_element_type3A_105, %cond3A_106 : i32
      scf.if %cond3A_107 {
        %add3A_108 = arith.constant 2 : i32
        %add3A_109 = arith.addi %add3A_88, %add3A_108 : i32
        %dma_start3A_110 = arith.constant 1 : i32
        %dma_start3A_111 = arith.constant 0 : i32
        %dma_start3A_112 = arith.constant 0 : i32
        %dma_start3A_113 = tpu.memref_slice %arg10[%dma_start3A_110, %dma_start3A_111, %dma_start3A_112] : memref<2x128x128xf32, #tpu.memory_space<vmem>> -> memref<1x128x128xf32, #tpu.memory_space<vmem>>
        %dma_start3A_114 = tpu.memref_squeeze %dma_start3A_113 : memref<1x128x128xf32, #tpu.memory_space<vmem>> -> memref<128x128xf32, #tpu.memory_space<vmem>>
        %dma_start3A_115 = arith.constant 0 : i32
        %dma_start3A_116 = tpu.memref_slice %arg8[%add3A_109, %dma_start3A_115] : memref<40x128xi32, #tpu.memory_space<vmem>> -> memref<1x128xi32, #tpu.memory_space<vmem>>
        %dma_start3A_117 = tpu.memref_squeeze %dma_start3A_116 : memref<1x128xi32, #tpu.memory_space<vmem>> -> memref<128xi32, #tpu.memory_space<vmem>>
        %dma_start3A_118 = arith.constant 0 : i32
        %dma_start3A_119 = arith.constant 0 : i32
        %dma_start3A_120 = tpu.memref_slice %arg2[%dma_start3A_118, %dma_start3A_119] : memref<10112x128xf32, #tpu.memory_space<hbm>> -> memref<10112x128xf32, #tpu.memory_space<hbm>>
        tpu.enqueue_indirect_dma source(%dma_start3A_120 : memref<10112x128xf32, #tpu.memory_space<hbm>>) target(%dma_start3A_114 : memref<128x128xf32, #tpu.memory_space<vmem>>) offsets(%dma_start3A_117 : memref<128xi32, #tpu.memory_space<vmem>>) semaphore(%arg12 : memref<!tpu.dma_semaphore, #tpu.memory_space<semaphore_mem>>)
      } else {
      }
    }
    %scan3A_30 = arith.constant 20 : i32
    "tpu.region"() ({
      %run_scoped3A = tpu.sem_alloc : memref<!tpu.dma_semaphore, #tpu.memory_space<semaphore_mem>>
      %dma_start3A_66 = arith.constant 40 : i32
      %dma_start3A_67 = arith.constant 0 : i32
      %dma_start3A_68 = tpu.memref_slice %arg3[%add3A, %dma_start3A_66, %dma_start3A_67] : memref<32x80x128xi32, #tpu.memory_space<hbm>> -> memref<1x40x128xi32, #tpu.memory_space<hbm>>
      %dma_start3A_69 = tpu.memref_squeeze %dma_start3A_68 : memref<1x40x128xi32, #tpu.memory_space<hbm>> -> memref<40x128xi32, #tpu.memory_space<hbm>>
      %dma_start3A_70 = arith.constant 40 : i32
      %dma_start3A_71 = arith.constant 0 : i32
      %dma_start3A_72 = tpu.memref_slice %arg3[%add3A, %dma_start3A_70, %dma_start3A_71] : memref<32x80x128xi32, #tpu.memory_space<hbm>> -> memref<1x40x128xi32, #tpu.memory_space<hbm>>
      %dma_start3A_73 = tpu.memref_squeeze %dma_start3A_72 : memref<1x40x128xi32, #tpu.memory_space<hbm>> -> memref<40x128xi32, #tpu.memory_space<hbm>>
      tpu.enqueue_dma source(%dma_start3A_73 : memref<40x128xi32, #tpu.memory_space<hbm>>) target(%arg8 : memref<40x128xi32, #tpu.memory_space<vmem>>) target_semaphore(%run_scoped3A : memref<!tpu.dma_semaphore, #tpu.memory_space<semaphore_mem>>)
      %dma_wait3A = arith.constant 40 : i32
      %dma_wait3A_74 = arith.constant 0 : i32
      %dma_wait3A_75 = tpu.memref_slice %arg3[%add3A, %dma_wait3A, %dma_wait3A_74] : memref<32x80x128xi32, #tpu.memory_space<hbm>> -> memref<1x40x128xi32, #tpu.memory_space<hbm>>
      %dma_wait3A_76 = tpu.memref_squeeze %dma_wait3A_75 : memref<1x40x128xi32, #tpu.memory_space<hbm>> -> memref<40x128xi32, #tpu.memory_space<hbm>>
      %dma_wait3A_77 = arith.constant 40 : i32
      %dma_wait3A_78 = arith.constant 0 : i32
      %dma_wait3A_79 = tpu.memref_slice %arg3[%add3A, %dma_wait3A_77, %dma_wait3A_78] : memref<32x80x128xi32, #tpu.memory_space<hbm>> -> memref<1x40x128xi32, #tpu.memory_space<hbm>>
      %dma_wait3A_80 = tpu.memref_squeeze %dma_wait3A_79 : memref<1x40x128xi32, #tpu.memory_space<hbm>> -> memref<40x128xi32, #tpu.memory_space<hbm>>
      tpu.wait_dma2 semaphore(%run_scoped3A : memref<!tpu.dma_semaphore, #tpu.memory_space<semaphore_mem>>) src(%dma_wait3A_80 : memref<40x128xi32, #tpu.memory_space<hbm>>) dst(%arg8 : memref<40x128xi32, #tpu.memory_space<vmem>>)
      tpu.yield
    }) : () -> ()
    "tpu.region"() ({
      %run_scoped3A = tpu.sem_alloc : memref<!tpu.dma_semaphore, #tpu.memory_space<semaphore_mem>>
      %dma_start3A_66 = arith.constant 40 : i32
      %dma_start3A_67 = arith.constant 0 : i32
      %dma_start3A_68 = tpu.memref_slice %arg4[%add3A, %dma_start3A_66, %dma_start3A_67] : memref<32x80x128xi32, #tpu.memory_space<hbm>> -> memref<1x40x128xi32, #tpu.memory_space<hbm>>
      %dma_start3A_69 = tpu.memref_squeeze %dma_start3A_68 : memref<1x40x128xi32, #tpu.memory_space<hbm>> -> memref<40x128xi32, #tpu.memory_space<hbm>>
      %dma_start3A_70 = arith.constant 40 : i32
      %dma_start3A_71 = arith.constant 0 : i32
      %dma_start3A_72 = tpu.memref_slice %arg4[%add3A, %dma_start3A_70, %dma_start3A_71] : memref<32x80x128xi32, #tpu.memory_space<hbm>> -> memref<1x40x128xi32, #tpu.memory_space<hbm>>
      %dma_start3A_73 = tpu.memref_squeeze %dma_start3A_72 : memref<1x40x128xi32, #tpu.memory_space<hbm>> -> memref<40x128xi32, #tpu.memory_space<hbm>>
      tpu.enqueue_dma source(%dma_start3A_73 : memref<40x128xi32, #tpu.memory_space<hbm>>) target(%arg9 : memref<40x128xi32, #tpu.memory_space<vmem>>) target_semaphore(%run_scoped3A : memref<!tpu.dma_semaphore, #tpu.memory_space<semaphore_mem>>)
      %dma_wait3A = arith.constant 40 : i32
      %dma_wait3A_74 = arith.constant 0 : i32
      %dma_wait3A_75 = tpu.memref_slice %arg4[%add3A, %dma_wait3A, %dma_wait3A_74] : memref<32x80x128xi32, #tpu.memory_space<hbm>> -> memref<1x40x128xi32, #tpu.memory_space<hbm>>
      %dma_wait3A_76 = tpu.memref_squeeze %dma_wait3A_75 : memref<1x40x128xi32, #tpu.memory_space<hbm>> -> memref<40x128xi32, #tpu.memory_space<hbm>>
      %dma_wait3A_77 = arith.constant 40 : i32
      %dma_wait3A_78 = arith.constant 0 : i32
      %dma_wait3A_79 = tpu.memref_slice %arg4[%add3A, %dma_wait3A_77, %dma_wait3A_78] : memref<32x80x128xi32, #tpu.memory_space<hbm>> -> memref<1x40x128xi32, #tpu.memory_space<hbm>>
      %dma_wait3A_80 = tpu.memref_squeeze %dma_wait3A_79 : memref<1x40x128xi32, #tpu.memory_space<hbm>> -> memref<40x128xi32, #tpu.memory_space<hbm>>
      tpu.wait_dma2 semaphore(%run_scoped3A : memref<!tpu.dma_semaphore, #tpu.memory_space<semaphore_mem>>) src(%dma_wait3A_80 : memref<40x128xi32, #tpu.memory_space<hbm>>) dst(%arg9 : memref<40x128xi32, #tpu.memory_space<vmem>>)
      tpu.yield
    }) : () -> ()
    %dma_start3A_31 = arith.constant 0 : i32
    %dma_start3A_32 = arith.constant 0 : i32
    %dma_start3A_33 = arith.constant 0 : i32
    %dma_start3A_34 = arith.constant 0 : i32
    %dma_start3A_35 = tpu.memref_slice %arg10[%dma_start3A_32, %dma_start3A_33, %dma_start3A_34] : memref<2x128x128xf32, #tpu.memory_space<vmem>> -> memref<1x128x128xf32, #tpu.memory_space<vmem>>
    %dma_start3A_36 = tpu.memref_squeeze %dma_start3A_35 : memref<1x128x128xf32, #tpu.memory_space<vmem>> -> memref<128x128xf32, #tpu.memory_space<vmem>>
    %dma_start3A_37 = arith.constant 0 : i32
    %dma_start3A_38 = tpu.memref_slice %arg8[%dma_start3A_31, %dma_start3A_37] : memref<40x128xi32, #tpu.memory_space<vmem>> -> memref<1x128xi32, #tpu.memory_space<vmem>>
    %dma_start3A_39 = tpu.memref_squeeze %dma_start3A_38 : memref<1x128xi32, #tpu.memory_space<vmem>> -> memref<128xi32, #tpu.memory_space<vmem>>
    %dma_start3A_40 = arith.constant 0 : i32
    %dma_start3A_41 = arith.constant 0 : i32
    %dma_start3A_42 = tpu.memref_slice %arg2[%dma_start3A_40, %dma_start3A_41] : memref<10112x128xf32, #tpu.memory_space<hbm>> -> memref<10112x128xf32, #tpu.memory_space<hbm>>
    tpu.enqueue_indirect_dma source(%dma_start3A_42 : memref<10112x128xf32, #tpu.memory_space<hbm>>) target(%dma_start3A_36 : memref<128x128xf32, #tpu.memory_space<vmem>>) offsets(%dma_start3A_39 : memref<128xi32, #tpu.memory_space<vmem>>) semaphore(%arg11 : memref<!tpu.dma_semaphore, #tpu.memory_space<semaphore_mem>>)
    %dma_start3A_43 = arith.constant 1 : i32
    %dma_start3A_44 = arith.constant 1 : i32
    %dma_start3A_45 = arith.constant 0 : i32
    %dma_start3A_46 = arith.constant 0 : i32
    %dma_start3A_47 = tpu.memref_slice %arg10[%dma_start3A_44, %dma_start3A_45, %dma_start3A_46] : memref<2x128x128xf32, #tpu.memory_space<vmem>> -> memref<1x128x128xf32, #tpu.memory_space<vmem>>
    %dma_start3A_48 = tpu.memref_squeeze %dma_start3A_47 : memref<1x128x128xf32, #tpu.memory_space<vmem>> -> memref<128x128xf32, #tpu.memory_space<vmem>>
    %dma_start3A_49 = arith.constant 0 : i32
    %dma_start3A_50 = tpu.memref_slice %arg8[%dma_start3A_43, %dma_start3A_49] : memref<40x128xi32, #tpu.memory_space<vmem>> -> memref<1x128xi32, #tpu.memory_space<vmem>>
    %dma_start3A_51 = tpu.memref_squeeze %dma_start3A_50 : memref<1x128xi32, #tpu.memory_space<vmem>> -> memref<128xi32, #tpu.memory_space<vmem>>
    %dma_start3A_52 = arith.constant 0 : i32
    %dma_start3A_53 = arith.constant 0 : i32
    %dma_start3A_54 = tpu.memref_slice %arg2[%dma_start3A_52, %dma_start3A_53] : memref<10112x128xf32, #tpu.memory_space<hbm>> -> memref<10112x128xf32, #tpu.memory_space<hbm>>
    tpu.enqueue_indirect_dma source(%dma_start3A_54 : memref<10112x128xf32, #tpu.memory_space<hbm>>) target(%dma_start3A_48 : memref<128x128xf32, #tpu.memory_space<vmem>>) offsets(%dma_start3A_51 : memref<128xi32, #tpu.memory_space<vmem>>) semaphore(%arg12 : memref<!tpu.dma_semaphore, #tpu.memory_space<semaphore_mem>>)
    %scan3A_55 = arith.constant 0 : i32
    %scan3A_56 = arith.constant 0 : i32
    %scan3A_57 = arith.constant 20 : i32
    %scan3A_58 = arith.addi %scan3A_56, %scan3A_57 : i32
    %scan3A_59 = arith.constant 1 : i32
    scf.for %scan3A_66 = %scan3A_56 to %scan3A_58 step %scan3A_59  : i32 {
      %mul3A_67 = arith.constant 2 : i32
      %mul3A_68 = arith.muli %scan3A_66, %mul3A_67 : i32
      %add3A_69 = arith.constant 0 : i32
      %add3A_70 = arith.addi %mul3A_68, %add3A_69 : i32
      %dma_wait3A = arith.constant 0 : i32
      %dma_wait3A_71 = arith.constant 0 : i32
      %dma_wait3A_72 = arith.constant 0 : i32
      %dma_wait3A_73 = tpu.memref_slice %arg10[%dma_wait3A, %dma_wait3A_71, %dma_wait3A_72] : memref<2x128x128xf32, #tpu.memory_space<vmem>> -> memref<1x128x128xf32, #tpu.memory_space<vmem>>
      %dma_wait3A_74 = tpu.memref_squeeze %dma_wait3A_73 : memref<1x128x128xf32, #tpu.memory_space<vmem>> -> memref<128x128xf32, #tpu.memory_space<vmem>>
      %dma_wait3A_75 = arith.constant 0 : i32
      %dma_wait3A_76 = tpu.memref_slice %arg8[%add3A_70, %dma_wait3A_75] : memref<40x128xi32, #tpu.memory_space<vmem>> -> memref<1x128xi32, #tpu.memory_space<vmem>>
      %dma_wait3A_77 = tpu.memref_squeeze %dma_wait3A_76 : memref<1x128xi32, #tpu.memory_space<vmem>> -> memref<128xi32, #tpu.memory_space<vmem>>
      %dma_wait3A_78 = arith.constant 0 : i32
      %dma_wait3A_79 = arith.constant 0 : i32
      %dma_wait3A_80 = tpu.memref_slice %arg2[%dma_wait3A_78, %dma_wait3A_79] : memref<10112x128xf32, #tpu.memory_space<hbm>> -> memref<10112x128xf32, #tpu.memory_space<hbm>>
      tpu.wait_indirect_dma semaphore(%arg11 : memref<!tpu.dma_semaphore, #tpu.memory_space<semaphore_mem>>) src(%dma_wait3A_80 : memref<10112x128xf32, #tpu.memory_space<hbm>>) dst(%dma_wait3A_74 : memref<128x128xf32, #tpu.memory_space<vmem>>)
      %run_scoped3A = arith.constant 0 : i32
      "tpu.region"() ({
        %run_scoped3A_108 = tpu.sem_alloc : memref<!tpu.dma_semaphore, #tpu.memory_space<semaphore_mem>>
        %dma_start3A_109 = arith.constant 0 : i32
        %dma_start3A_110 = arith.constant 0 : i32
        %dma_start3A_111 = tpu.memref_slice %arg10[%run_scoped3A, %dma_start3A_109, %dma_start3A_110] : memref<2x128x128xf32, #tpu.memory_space<vmem>> -> memref<1x128x128xf32, #tpu.memory_space<vmem>>
        %dma_start3A_112 = tpu.memref_squeeze %dma_start3A_111 : memref<1x128x128xf32, #tpu.memory_space<vmem>> -> memref<128x128xf32, #tpu.memory_space<vmem>>
        %dma_start3A_113 = arith.constant 0 : i32
        %dma_start3A_114 = tpu.memref_slice %arg9[%add3A_70, %dma_start3A_113] : memref<40x128xi32, #tpu.memory_space<vmem>> -> memref<1x128xi32, #tpu.memory_space<vmem>>
        %dma_start3A_115 = tpu.memref_squeeze %dma_start3A_114 : memref<1x128xi32, #tpu.memory_space<vmem>> -> memref<128xi32, #tpu.memory_space<vmem>>
        %dma_start3A_116 = arith.constant 0 : i32
        %dma_start3A_117 = arith.constant 0 : i32
        %dma_start3A_118 = tpu.memref_slice %arg7[%dma_start3A_116, %dma_start3A_117] : memref<10112x128xf32, #tpu.memory_space<vmem_shared>> -> memref<10112x128xf32, #tpu.memory_space<vmem_shared>>
        tpu.enqueue_indirect_dma source(%dma_start3A_112 : memref<128x128xf32, #tpu.memory_space<vmem>>) target(%dma_start3A_118 : memref<10112x128xf32, #tpu.memory_space<vmem_shared>>) offsets(%dma_start3A_115 : memref<128xi32, #tpu.memory_space<vmem>>) semaphore(%run_scoped3A_108 : memref<!tpu.dma_semaphore, #tpu.memory_space<semaphore_mem>>) {add = true}
        %dma_wait3A_119 = arith.constant 0 : i32
        %dma_wait3A_120 = arith.constant 0 : i32
        %dma_wait3A_121 = tpu.memref_slice %arg10[%run_scoped3A, %dma_wait3A_119, %dma_wait3A_120] : memref<2x128x128xf32, #tpu.memory_space<vmem>> -> memref<1x128x128xf32, #tpu.memory_space<vmem>>
        %dma_wait3A_122 = tpu.memref_squeeze %dma_wait3A_121 : memref<1x128x128xf32, #tpu.memory_space<vmem>> -> memref<128x128xf32, #tpu.memory_space<vmem>>
        %dma_wait3A_123 = arith.constant 0 : i32
        %dma_wait3A_124 = tpu.memref_slice %arg9[%add3A_70, %dma_wait3A_123] : memref<40x128xi32, #tpu.memory_space<vmem>> -> memref<1x128xi32, #tpu.memory_space<vmem>>
        %dma_wait3A_125 = tpu.memref_squeeze %dma_wait3A_124 : memref<1x128xi32, #tpu.memory_space<vmem>> -> memref<128xi32, #tpu.memory_space<vmem>>
        %dma_wait3A_126 = arith.constant 0 : i32
        %dma_wait3A_127 = arith.constant 0 : i32
        %dma_wait3A_128 = tpu.memref_slice %arg7[%dma_wait3A_126, %dma_wait3A_127] : memref<10112x128xf32, #tpu.memory_space<vmem_shared>> -> memref<10112x128xf32, #tpu.memory_space<vmem_shared>>
        tpu.wait_indirect_dma semaphore(%run_scoped3A_108 : memref<!tpu.dma_semaphore, #tpu.memory_space<semaphore_mem>>) src(%dma_wait3A_122 : memref<128x128xf32, #tpu.memory_space<vmem>>) dst(%dma_wait3A_128 : memref<10112x128xf32, #tpu.memory_space<vmem_shared>>)
        tpu.yield
      }) : () -> ()
      %add3A_81 = arith.constant 2 : i32
      %add3A_82 = arith.addi %add3A_70, %add3A_81 : i32
      %lt3A = arith.constant 40 : i32
      %lt3A_83 = arith.cmpi slt, %add3A_82, %lt3A : i32
      %convert_element_type3A = arith.extui %lt3A_83 : i1 to i32
      %cond3A = arith.constant 0 : i32
      %cond3A_84 = arith.cmpi ne, %convert_element_type3A, %cond3A : i32
      scf.if %cond3A_84 {
        %add3A_108 = arith.constant 2 : i32
        %add3A_109 = arith.addi %add3A_70, %add3A_108 : i32
        %dma_start3A_110 = arith.constant 0 : i32
        %dma_start3A_111 = arith.constant 0 : i32
        %dma_start3A_112 = arith.constant 0 : i32
        %dma_start3A_113 = tpu.memref_slice %arg10[%dma_start3A_110, %dma_start3A_111, %dma_start3A_112] : memref<2x128x128xf32, #tpu.memory_space<vmem>> -> memref<1x128x128xf32, #tpu.memory_space<vmem>>
        %dma_start3A_114 = tpu.memref_squeeze %dma_start3A_113 : memref<1x128x128xf32, #tpu.memory_space<vmem>> -> memref<128x128xf32, #tpu.memory_space<vmem>>
        %dma_start3A_115 = arith.constant 0 : i32
        %dma_start3A_116 = tpu.memref_slice %arg8[%add3A_109, %dma_start3A_115] : memref<40x128xi32, #tpu.memory_space<vmem>> -> memref<1x128xi32, #tpu.memory_space<vmem>>
        %dma_start3A_117 = tpu.memref_squeeze %dma_start3A_116 : memref<1x128xi32, #tpu.memory_space<vmem>> -> memref<128xi32, #tpu.memory_space<vmem>>
        %dma_start3A_118 = arith.constant 0 : i32
        %dma_start3A_119 = arith.constant 0 : i32
        %dma_start3A_120 = tpu.memref_slice %arg2[%dma_start3A_118, %dma_start3A_119] : memref<10112x128xf32, #tpu.memory_space<hbm>> -> memref<10112x128xf32, #tpu.memory_space<hbm>>
        tpu.enqueue_indirect_dma source(%dma_start3A_120 : memref<10112x128xf32, #tpu.memory_space<hbm>>) target(%dma_start3A_114 : memref<128x128xf32, #tpu.memory_space<vmem>>) offsets(%dma_start3A_117 : memref<128xi32, #tpu.memory_space<vmem>>) semaphore(%arg11 : memref<!tpu.dma_semaphore, #tpu.memory_space<semaphore_mem>>)
      } else {
      }
      %mul3A_85 = arith.constant 2 : i32
      %mul3A_86 = arith.muli %scan3A_66, %mul3A_85 : i32
      %add3A_87 = arith.constant 1 : i32
      %add3A_88 = arith.addi %mul3A_86, %add3A_87 : i32
      %dma_wait3A_89 = arith.constant 1 : i32
      %dma_wait3A_90 = arith.constant 0 : i32
      %dma_wait3A_91 = arith.constant 0 : i32
      %dma_wait3A_92 = tpu.memref_slice %arg10[%dma_wait3A_89, %dma_wait3A_90, %dma_wait3A_91] : memref<2x128x128xf32, #tpu.memory_space<vmem>> -> memref<1x128x128xf32, #tpu.memory_space<vmem>>
      %dma_wait3A_93 = tpu.memref_squeeze %dma_wait3A_92 : memref<1x128x128xf32, #tpu.memory_space<vmem>> -> memref<128x128xf32, #tpu.memory_space<vmem>>
      %dma_wait3A_94 = arith.constant 0 : i32
      %dma_wait3A_95 = tpu.memref_slice %arg8[%add3A_88, %dma_wait3A_94] : memref<40x128xi32, #tpu.memory_space<vmem>> -> memref<1x128xi32, #tpu.memory_space<vmem>>
      %dma_wait3A_96 = tpu.memref_squeeze %dma_wait3A_95 : memref<1x128xi32, #tpu.memory_space<vmem>> -> memref<128xi32, #tpu.memory_space<vmem>>
      %dma_wait3A_97 = arith.constant 0 : i32
      %dma_wait3A_98 = arith.constant 0 : i32
      %dma_wait3A_99 = tpu.memref_slice %arg2[%dma_wait3A_97, %dma_wait3A_98] : memref<10112x128xf32, #tpu.memory_space<hbm>> -> memref<10112x128xf32, #tpu.memory_space<hbm>>
      tpu.wait_indirect_dma semaphore(%arg12 : memref<!tpu.dma_semaphore, #tpu.memory_space<semaphore_mem>>) src(%dma_wait3A_99 : memref<10112x128xf32, #tpu.memory_space<hbm>>) dst(%dma_wait3A_93 : memref<128x128xf32, #tpu.memory_space<vmem>>)
      %run_scoped3A_100 = arith.constant 1 : i32
      "tpu.region"() ({
        %run_scoped3A_108 = tpu.sem_alloc : memref<!tpu.dma_semaphore, #tpu.memory_space<semaphore_mem>>
        %dma_start3A_109 = arith.constant 0 : i32
        %dma_start3A_110 = arith.constant 0 : i32
        %dma_start3A_111 = tpu.memref_slice %arg10[%run_scoped3A_100, %dma_start3A_109, %dma_start3A_110] : memref<2x128x128xf32, #tpu.memory_space<vmem>> -> memref<1x128x128xf32, #tpu.memory_space<vmem>>
        %dma_start3A_112 = tpu.memref_squeeze %dma_start3A_111 : memref<1x128x128xf32, #tpu.memory_space<vmem>> -> memref<128x128xf32, #tpu.memory_space<vmem>>
        %dma_start3A_113 = arith.constant 0 : i32
        %dma_start3A_114 = tpu.memref_slice %arg9[%add3A_88, %dma_start3A_113] : memref<40x128xi32, #tpu.memory_space<vmem>> -> memref<1x128xi32, #tpu.memory_space<vmem>>
        %dma_start3A_115 = tpu.memref_squeeze %dma_start3A_114 : memref<1x128xi32, #tpu.memory_space<vmem>> -> memref<128xi32, #tpu.memory_space<vmem>>
        %dma_start3A_116 = arith.constant 0 : i32
        %dma_start3A_117 = arith.constant 0 : i32
        %dma_start3A_118 = tpu.memref_slice %arg7[%dma_start3A_116, %dma_start3A_117] : memref<10112x128xf32, #tpu.memory_space<vmem_shared>> -> memref<10112x128xf32, #tpu.memory_space<vmem_shared>>
        tpu.enqueue_indirect_dma source(%dma_start3A_112 : memref<128x128xf32, #tpu.memory_space<vmem>>) target(%dma_start3A_118 : memref<10112x128xf32, #tpu.memory_space<vmem_shared>>) offsets(%dma_start3A_115 : memref<128xi32, #tpu.memory_space<vmem>>) semaphore(%run_scoped3A_108 : memref<!tpu.dma_semaphore, #tpu.memory_space<semaphore_mem>>) {add = true}
        %dma_wait3A_119 = arith.constant 0 : i32
        %dma_wait3A_120 = arith.constant 0 : i32
        %dma_wait3A_121 = tpu.memref_slice %arg10[%run_scoped3A_100, %dma_wait3A_119, %dma_wait3A_120] : memref<2x128x128xf32, #tpu.memory_space<vmem>> -> memref<1x128x128xf32, #tpu.memory_space<vmem>>
        %dma_wait3A_122 = tpu.memref_squeeze %dma_wait3A_121 : memref<1x128x128xf32, #tpu.memory_space<vmem>> -> memref<128x128xf32, #tpu.memory_space<vmem>>
        %dma_wait3A_123 = arith.constant 0 : i32
        %dma_wait3A_124 = tpu.memref_slice %arg9[%add3A_88, %dma_wait3A_123] : memref<40x128xi32, #tpu.memory_space<vmem>> -> memref<1x128xi32, #tpu.memory_space<vmem>>
        %dma_wait3A_125 = tpu.memref_squeeze %dma_wait3A_124 : memref<1x128xi32, #tpu.memory_space<vmem>> -> memref<128xi32, #tpu.memory_space<vmem>>
        %dma_wait3A_126 = arith.constant 0 : i32
        %dma_wait3A_127 = arith.constant 0 : i32
        %dma_wait3A_128 = tpu.memref_slice %arg7[%dma_wait3A_126, %dma_wait3A_127] : memref<10112x128xf32, #tpu.memory_space<vmem_shared>> -> memref<10112x128xf32, #tpu.memory_space<vmem_shared>>
        tpu.wait_indirect_dma semaphore(%run_scoped3A_108 : memref<!tpu.dma_semaphore, #tpu.memory_space<semaphore_mem>>) src(%dma_wait3A_122 : memref<128x128xf32, #tpu.memory_space<vmem>>) dst(%dma_wait3A_128 : memref<10112x128xf32, #tpu.memory_space<vmem_shared>>)
        tpu.yield
      }) : () -> ()
      %add3A_101 = arith.constant 2 : i32
      %add3A_102 = arith.addi %add3A_88, %add3A_101 : i32
      %lt3A_103 = arith.constant 40 : i32
      %lt3A_104 = arith.cmpi slt, %add3A_102, %lt3A_103 : i32
      %convert_element_type3A_105 = arith.extui %lt3A_104 : i1 to i32
      %cond3A_106 = arith.constant 0 : i32
      %cond3A_107 = arith.cmpi ne, %convert_element_type3A_105, %cond3A_106 : i32
      scf.if %cond3A_107 {
        %add3A_108 = arith.constant 2 : i32
        %add3A_109 = arith.addi %add3A_88, %add3A_108 : i32
        %dma_start3A_110 = arith.constant 1 : i32
        %dma_start3A_111 = arith.constant 0 : i32
        %dma_start3A_112 = arith.constant 0 : i32
        %dma_start3A_113 = tpu.memref_slice %arg10[%dma_start3A_110, %dma_start3A_111, %dma_start3A_112] : memref<2x128x128xf32, #tpu.memory_space<vmem>> -> memref<1x128x128xf32, #tpu.memory_space<vmem>>
        %dma_start3A_114 = tpu.memref_squeeze %dma_start3A_113 : memref<1x128x128xf32, #tpu.memory_space<vmem>> -> memref<128x128xf32, #tpu.memory_space<vmem>>
        %dma_start3A_115 = arith.constant 0 : i32
        %dma_start3A_116 = tpu.memref_slice %arg8[%add3A_109, %dma_start3A_115] : memref<40x128xi32, #tpu.memory_space<vmem>> -> memref<1x128xi32, #tpu.memory_space<vmem>>
        %dma_start3A_117 = tpu.memref_squeeze %dma_start3A_116 : memref<1x128xi32, #tpu.memory_space<vmem>> -> memref<128xi32, #tpu.memory_space<vmem>>
        %dma_start3A_118 = arith.constant 0 : i32
        %dma_start3A_119 = arith.constant 0 : i32
        %dma_start3A_120 = tpu.memref_slice %arg2[%dma_start3A_118, %dma_start3A_119] : memref<10112x128xf32, #tpu.memory_space<hbm>> -> memref<10112x128xf32, #tpu.memory_space<hbm>>
        tpu.enqueue_indirect_dma source(%dma_start3A_120 : memref<10112x128xf32, #tpu.memory_space<hbm>>) target(%dma_start3A_114 : memref<128x128xf32, #tpu.memory_space<vmem>>) offsets(%dma_start3A_117 : memref<128xi32, #tpu.memory_space<vmem>>) semaphore(%arg12 : memref<!tpu.dma_semaphore, #tpu.memory_space<semaphore_mem>>)
      } else {
      }
    }
    %scan3A_60 = arith.constant 20 : i32
    %barrier3A_61 = arith.constant 0 : index
    tpu.barrier barrier_id(%barrier3A_61)
    %mul3A_62 = arith.constant 632 : i32
    %mul3A_63 = arith.muli %arg1, %mul3A_62 : i32
    %mul3A_64 = arith.constant 632 : i32
    %mul3A_65 = arith.muli %arg1, %mul3A_64 : i32
    "tpu.region"() ({
      %run_scoped3A = tpu.sem_alloc : memref<!tpu.dma_semaphore, #tpu.memory_space<semaphore_mem>>
      %dma_start3A_66 = arith.constant 0 : i32
      %dma_start3A_67 = tpu.memref_slice %arg6[%arg0, %mul3A_65, %dma_start3A_66] : memref<2x10112x128xf32, #tpu.memory_space<hbm>> -> memref<1x632x128xf32, #tpu.memory_space<hbm>>
      %dma_start3A_68 = tpu.memref_squeeze %dma_start3A_67 : memref<1x632x128xf32, #tpu.memory_space<hbm>> -> memref<632x128xf32, #tpu.memory_space<hbm>>
      %dma_start3A_69 = arith.constant 0 : i32
      %dma_start3A_70 = tpu.memref_slice %arg7[%mul3A_63, %dma_start3A_69] : memref<10112x128xf32, #tpu.memory_space<vmem_shared>> -> memref<632x128xf32, #tpu.memory_space<vmem_shared>>
      tpu.enqueue_dma source(%dma_start3A_70 : memref<632x128xf32, #tpu.memory_space<vmem_shared>>) target(%dma_start3A_68 : memref<632x128xf32, #tpu.memory_space<hbm>>) target_semaphore(%run_scoped3A : memref<!tpu.dma_semaphore, #tpu.memory_space<semaphore_mem>>)
      %dma_wait3A = arith.constant 0 : i32
      %dma_wait3A_71 = tpu.memref_slice %arg6[%arg0, %mul3A_65, %dma_wait3A] : memref<2x10112x128xf32, #tpu.memory_space<hbm>> -> memref<1x632x128xf32, #tpu.memory_space<hbm>>
      %dma_wait3A_72 = tpu.memref_squeeze %dma_wait3A_71 : memref<1x632x128xf32, #tpu.memory_space<hbm>> -> memref<632x128xf32, #tpu.memory_space<hbm>>
      %dma_wait3A_73 = arith.constant 0 : i32
      %dma_wait3A_74 = tpu.memref_slice %arg7[%mul3A_63, %dma_wait3A_73] : memref<10112x128xf32, #tpu.memory_space<vmem_shared>> -> memref<632x128xf32, #tpu.memory_space<vmem_shared>>
      tpu.wait_dma2 semaphore(%run_scoped3A : memref<!tpu.dma_semaphore, #tpu.memory_space<semaphore_mem>>) src(%dma_wait3A_74 : memref<632x128xf32, #tpu.memory_space<vmem_shared>>) dst(%dma_wait3A_72 : memref<632x128xf32, #tpu.memory_space<hbm>>)
      tpu.yield
    }) : () -> ()
    return
  }
}

#map = affine_map<(d0, d1) -> (0, 0)>
#map1 = affine_map<(d0, d1) -> (0, 0, 0)>
module attributes {stable_mosaic.version = 14 : i64} {
  func.func @_adj_kernel(%arg0: i32, %arg1: i32, %arg2: memref<10112x128xf32, #tpu.memory_space<hbm>>, %arg3: memref<32x80x128xi32, #tpu.memory_space<hbm>>, %arg4: memref<32x80x128xi32, #tpu.memory_space<hbm>>, %arg5: memref<632x128xf32, #tpu.memory_space<hbm>>, %arg6: memref<2x10112x128xf32, #tpu.memory_space<hbm>>, %arg7: memref<10112x128xf32, #tpu.memory_space<vmem_shared>>, %arg8: memref<40x128xi32, #tpu.memory_space<vmem>>, %arg9: memref<40x128xi32, #tpu.memory_space<vmem>>, %arg10: memref<2x128x128xf32, #tpu.memory_space<vmem>>, %arg11: memref<!tpu.dma_semaphore, #tpu.memory_space<semaphore_mem>>, %arg12: memref<!tpu.dma_semaphore, #tpu.memory_space<semaphore_mem>>, %arg13: memref<!tpu.dma_semaphore, #tpu.memory_space<semaphore_mem>>, %arg14: memref<!tpu.dma_semaphore, #tpu.memory_space<semaphore_mem>>) attributes {dimension_semantics = [#tpu.dimension_semantics<core_parallel>, #tpu.dimension_semantics<subcore_parallel>], iteration_bounds = array<i64: 2, 16>, scalar_prefetch = 0 : i64, scratch_operands = 8 : i64, tpu.core_type = #tpu.core_type<sc_vector_subcore>, window_params = [{transform_indices = #map}, {transform_indices = #map1}, {transform_indices = #map1}, {transform_indices = #map}, {transform_indices = #map1}]} {
    %mul3A = arith.constant 2 : i32
    %mul3A_0 = arith.muli %arg1, %mul3A : i32
    %add3A = arith.addi %mul3A_0, %arg0 : i32
    %mul3A_1 = arith.constant 632 : i32
    %mul3A_2 = arith.muli %arg1, %mul3A_1 : i32
    "tpu.region"() ({
      %run_scoped3A = tpu.sem_alloc : memref<!tpu.dma_semaphore, #tpu.memory_space<semaphore_mem>>
      %dma_start3A_66 = arith.constant 0 : i32
      %dma_start3A_67 = tpu.memref_slice %arg7[%mul3A_2, %dma_start3A_66] : memref<10112x128xf32, #tpu.memory_space<vmem_shared>> -> memref<632x128xf32, #tpu.memory_space<vmem_shared>>
      tpu.enqueue_dma source(%arg5 : memref<632x128xf32, #tpu.memory_space<hbm>>) target(%dma_start3A_67 : memref<632x128xf32, #tpu.memory_space<vmem_shared>>) target_semaphore(%run_scoped3A : memref<!tpu.dma_semaphore, #tpu.memory_space<semaphore_mem>>)
      %dma_wait3A = arith.constant 0 : i32
      %dma_wait3A_68 = tpu.memref_slice %arg7[%mul3A_2, %dma_wait3A] : memref<10112x128xf32, #tpu.memory_space<vmem_shared>> -> memref<632x128xf32, #tpu.memory_space<vmem_shared>>
      tpu.wait_dma2 semaphore(%run_scoped3A : memref<!tpu.dma_semaphore, #tpu.memory_space<semaphore_mem>>) src(%arg5 : memref<632x128xf32, #tpu.memory_space<hbm>>) dst(%dma_wait3A_68 : memref<632x128xf32, #tpu.memory_space<vmem_shared>>)
      tpu.yield
    }) : () -> ()
    %barrier3A = arith.constant 0 : index
    tpu.barrier barrier_id(%barrier3A)
    "tpu.region"() ({
      %run_scoped3A = tpu.sem_alloc : memref<!tpu.dma_semaphore, #tpu.memory_space<semaphore_mem>>
      %dma_start3A_66 = arith.constant 0 : i32
      %dma_start3A_67 = arith.constant 0 : i32
      %dma_start3A_68 = tpu.memref_slice %arg3[%add3A, %dma_start3A_66, %dma_start3A_67] : memref<32x80x128xi32, #tpu.memory_space<hbm>> -> memref<1x40x128xi32, #tpu.memory_space<hbm>>
      %dma_start3A_69 = tpu.memref_squeeze %dma_start3A_68 : memref<1x40x128xi32, #tpu.memory_space<hbm>> -> memref<40x128xi32, #tpu.memory_space<hbm>>
      %dma_start3A_70 = arith.constant 0 : i32
      %dma_start3A_71 = arith.constant 0 : i32
      %dma_start3A_72 = tpu.memref_slice %arg3[%add3A, %dma_start3A_70, %dma_start3A_71] : memref<32x80x128xi32, #tpu.memory_space<hbm>> -> memref<1x40x128xi32, #tpu.memory_space<hbm>>
      %dma_start3A_73 = tpu.memref_squeeze %dma_start3A_72 : memref<1x40x128xi32, #tpu.memory_space<hbm>> -> memref<40x128xi32, #tpu.memory_space<hbm>>
      tpu.enqueue_dma source(%dma_start3A_73 : memref<40x128xi32, #tpu.memory_space<hbm>>) target(%arg8 : memref<40x128xi32, #tpu.memory_space<vmem>>) target_semaphore(%run_scoped3A : memref<!tpu.dma_semaphore, #tpu.memory_space<semaphore_mem>>)
      %dma_wait3A = arith.constant 0 : i32
      %dma_wait3A_74 = arith.constant 0 : i32
      %dma_wait3A_75 = tpu.memref_slice %arg3[%add3A, %dma_wait3A, %dma_wait3A_74] : memref<32x80x128xi32, #tpu.memory_space<hbm>> -> memref<1x40x128xi32, #tpu.memory_space<hbm>>
      %dma_wait3A_76 = tpu.memref_squeeze %dma_wait3A_75 : memref<1x40x128xi32, #tpu.memory_space<hbm>> -> memref<40x128xi32, #tpu.memory_space<hbm>>
      %dma_wait3A_77 = arith.constant 0 : i32
      %dma_wait3A_78 = arith.constant 0 : i32
      %dma_wait3A_79 = tpu.memref_slice %arg3[%add3A, %dma_wait3A_77, %dma_wait3A_78] : memref<32x80x128xi32, #tpu.memory_space<hbm>> -> memref<1x40x128xi32, #tpu.memory_space<hbm>>
      %dma_wait3A_80 = tpu.memref_squeeze %dma_wait3A_79 : memref<1x40x128xi32, #tpu.memory_space<hbm>> -> memref<40x128xi32, #tpu.memory_space<hbm>>
      tpu.wait_dma2 semaphore(%run_scoped3A : memref<!tpu.dma_semaphore, #tpu.memory_space<semaphore_mem>>) src(%dma_wait3A_80 : memref<40x128xi32, #tpu.memory_space<hbm>>) dst(%arg8 : memref<40x128xi32, #tpu.memory_space<vmem>>)
      tpu.yield
    }) : () -> ()
    "tpu.region"() ({
      %run_scoped3A = tpu.sem_alloc : memref<!tpu.dma_semaphore, #tpu.memory_space<semaphore_mem>>
      %dma_start3A_66 = arith.constant 0 : i32
      %dma_start3A_67 = arith.constant 0 : i32
      %dma_start3A_68 = tpu.memref_slice %arg4[%add3A, %dma_start3A_66, %dma_start3A_67] : memref<32x80x128xi32, #tpu.memory_space<hbm>> -> memref<1x40x128xi32, #tpu.memory_space<hbm>>
      %dma_start3A_69 = tpu.memref_squeeze %dma_start3A_68 : memref<1x40x128xi32, #tpu.memory_space<hbm>> -> memref<40x128xi32, #tpu.memory_space<hbm>>
      %dma_start3A_70 = arith.constant 0 : i32
      %dma_start3A_71 = arith.constant 0 : i32
      %dma_start3A_72 = tpu.memref_slice %arg4[%add3A, %dma_start3A_70, %dma_start3A_71] : memref<32x80x128xi32, #tpu.memory_space<hbm>> -> memref<1x40x128xi32, #tpu.memory_space<hbm>>
      %dma_start3A_73 = tpu.memref_squeeze %dma_start3A_72 : memref<1x40x128xi32, #tpu.memory_space<hbm>> -> memref<40x128xi32, #tpu.memory_space<hbm>>
      tpu.enqueue_dma source(%dma_start3A_73 : memref<40x128xi32, #tpu.memory_space<hbm>>) target(%arg9 : memref<40x128xi32, #tpu.memory_space<vmem>>) target_semaphore(%run_scoped3A : memref<!tpu.dma_semaphore, #tpu.memory_space<semaphore_mem>>)
      %dma_wait3A = arith.constant 0 : i32
      %dma_wait3A_74 = arith.constant 0 : i32
      %dma_wait3A_75 = tpu.memref_slice %arg4[%add3A, %dma_wait3A, %dma_wait3A_74] : memref<32x80x128xi32, #tpu.memory_space<hbm>> -> memref<1x40x128xi32, #tpu.memory_space<hbm>>
      %dma_wait3A_76 = tpu.memref_squeeze %dma_wait3A_75 : memref<1x40x128xi32, #tpu.memory_space<hbm>> -> memref<40x128xi32, #tpu.memory_space<hbm>>
      %dma_wait3A_77 = arith.constant 0 : i32
      %dma_wait3A_78 = arith.constant 0 : i32
      %dma_wait3A_79 = tpu.memref_slice %arg4[%add3A, %dma_wait3A_77, %dma_wait3A_78] : memref<32x80x128xi32, #tpu.memory_space<hbm>> -> memref<1x40x128xi32, #tpu.memory_space<hbm>>
      %dma_wait3A_80 = tpu.memref_squeeze %dma_wait3A_79 : memref<1x40x128xi32, #tpu.memory_space<hbm>> -> memref<40x128xi32, #tpu.memory_space<hbm>>
      tpu.wait_dma2 semaphore(%run_scoped3A : memref<!tpu.dma_semaphore, #tpu.memory_space<semaphore_mem>>) src(%dma_wait3A_80 : memref<40x128xi32, #tpu.memory_space<hbm>>) dst(%arg9 : memref<40x128xi32, #tpu.memory_space<vmem>>)
      tpu.yield
    }) : () -> ()
    %dma_start3A = arith.constant 0 : i32
    %dma_start3A_3 = arith.constant 0 : i32
    %dma_start3A_4 = arith.constant 0 : i32
    %dma_start3A_5 = arith.constant 0 : i32
    %dma_start3A_6 = tpu.memref_slice %arg10[%dma_start3A_3, %dma_start3A_4, %dma_start3A_5] : memref<2x128x128xf32, #tpu.memory_space<vmem>> -> memref<1x128x128xf32, #tpu.memory_space<vmem>>
    %dma_start3A_7 = tpu.memref_squeeze %dma_start3A_6 : memref<1x128x128xf32, #tpu.memory_space<vmem>> -> memref<128x128xf32, #tpu.memory_space<vmem>>
    %dma_start3A_8 = arith.constant 0 : i32
    %dma_start3A_9 = tpu.memref_slice %arg8[%dma_start3A, %dma_start3A_8] : memref<40x128xi32, #tpu.memory_space<vmem>> -> memref<1x128xi32, #tpu.memory_space<vmem>>
    %dma_start3A_10 = tpu.memref_squeeze %dma_start3A_9 : memref<1x128xi32, #tpu.memory_space<vmem>> -> memref<128xi32, #tpu.memory_space<vmem>>
    %dma_start3A_11 = arith.constant 0 : i32
    %dma_start3A_12 = arith.constant 0 : i32
    %dma_start3A_13 = tpu.memref_slice %arg2[%dma_start3A_11, %dma_start3A_12] : memref<10112x128xf32, #tpu.memory_space<hbm>> -> memref<10112x128xf32, #tpu.memory_space<hbm>>
    tpu.enqueue_indirect_dma source(%dma_start3A_13 : memref<10112x128xf32, #tpu.memory_space<hbm>>) target(%dma_start3A_7 : memref<128x128xf32, #tpu.memory_space<vmem>>) offsets(%dma_start3A_10 : memref<128xi32, #tpu.memory_space<vmem>>) semaphore(%arg11 : memref<!tpu.dma_semaphore, #tpu.memory_space<semaphore_mem>>)
    %dma_start3A_14 = arith.constant 1 : i32
    %dma_start3A_15 = arith.constant 1 : i32
    %dma_start3A_16 = arith.constant 0 : i32
    %dma_start3A_17 = arith.constant 0 : i32
    %dma_start3A_18 = tpu.memref_slice %arg10[%dma_start3A_15, %dma_start3A_16, %dma_start3A_17] : memref<2x128x128xf32, #tpu.memory_space<vmem>> -> memref<1x128x128xf32, #tpu.memory_space<vmem>>
    %dma_start3A_19 = tpu.memref_squeeze %dma_start3A_18 : memref<1x128x128xf32, #tpu.memory_space<vmem>> -> memref<128x128xf32, #tpu.memory_space<vmem>>
    %dma_start3A_20 = arith.constant 0 : i32
    %dma_start3A_21 = tpu.memref_slice %arg8[%dma_start3A_14, %dma_start3A_20] : memref<40x128xi32, #tpu.memory_space<vmem>> -> memref<1x128xi32, #tpu.memory_space<vmem>>
    %dma_start3A_22 = tpu.memref_squeeze %dma_start3A_21 : memref<1x128xi32, #tpu.memory_space<vmem>> -> memref<128xi32, #tpu.memory_space<vmem>>
    %dma_start3A_23 = arith.constant 0 : i32
    %dma_start3A_24 = arith.constant 0 : i32
    %dma_start3A_25 = tpu.memref_slice %arg2[%dma_start3A_23, %dma_start3A_24] : memref<10112x128xf32, #tpu.memory_space<hbm>> -> memref<10112x128xf32, #tpu.memory_space<hbm>>
    tpu.enqueue_indirect_dma source(%dma_start3A_25 : memref<10112x128xf32, #tpu.memory_space<hbm>>) target(%dma_start3A_19 : memref<128x128xf32, #tpu.memory_space<vmem>>) offsets(%dma_start3A_22 : memref<128xi32, #tpu.memory_space<vmem>>) semaphore(%arg12 : memref<!tpu.dma_semaphore, #tpu.memory_space<semaphore_mem>>)
    %scan3A = arith.constant 0 : i32
    %scan3A_26 = arith.constant 0 : i32
    %scan3A_27 = arith.constant 20 : i32
    %scan3A_28 = arith.addi %scan3A_26, %scan3A_27 : i32
    %scan3A_29 = arith.constant 1 : i32
    scf.for %scan3A_66 = %scan3A_26 to %scan3A_28 step %scan3A_29  : i32 {
      %mul3A_67 = arith.constant 2 : i32
      %mul3A_68 = arith.muli %scan3A_66, %mul3A_67 : i32
      %add3A_69 = arith.constant 0 : i32
      %add3A_70 = arith.addi %mul3A_68, %add3A_69 : i32
      %dma_wait3A = arith.constant 0 : i32
      %dma_wait3A_71 = arith.constant 0 : i32
      %dma_wait3A_72 = arith.constant 0 : i32
      %dma_wait3A_73 = tpu.memref_slice %arg10[%dma_wait3A, %dma_wait3A_71, %dma_wait3A_72] : memref<2x128x128xf32, #tpu.memory_space<vmem>> -> memref<1x128x128xf32, #tpu.memory_space<vmem>>
      %dma_wait3A_74 = tpu.memref_squeeze %dma_wait3A_73 : memref<1x128x128xf32, #tpu.memory_space<vmem>> -> memref<128x128xf32, #tpu.memory_space<vmem>>
      %dma_wait3A_75 = arith.constant 0 : i32
      %dma_wait3A_76 = tpu.memref_slice %arg8[%add3A_70, %dma_wait3A_75] : memref<40x128xi32, #tpu.memory_space<vmem>> -> memref<1x128xi32, #tpu.memory_space<vmem>>
      %dma_wait3A_77 = tpu.memref_squeeze %dma_wait3A_76 : memref<1x128xi32, #tpu.memory_space<vmem>> -> memref<128xi32, #tpu.memory_space<vmem>>
      %dma_wait3A_78 = arith.constant 0 : i32
      %dma_wait3A_79 = arith.constant 0 : i32
      %dma_wait3A_80 = tpu.memref_slice %arg2[%dma_wait3A_78, %dma_wait3A_79] : memref<10112x128xf32, #tpu.memory_space<hbm>> -> memref<10112x128xf32, #tpu.memory_space<hbm>>
      tpu.wait_indirect_dma semaphore(%arg11 : memref<!tpu.dma_semaphore, #tpu.memory_space<semaphore_mem>>) src(%dma_wait3A_80 : memref<10112x128xf32, #tpu.memory_space<hbm>>) dst(%dma_wait3A_74 : memref<128x128xf32, #tpu.memory_space<vmem>>)
      %run_scoped3A = arith.constant 0 : i32
      "tpu.region"() ({
        %run_scoped3A_108 = tpu.sem_alloc : memref<!tpu.dma_semaphore, #tpu.memory_space<semaphore_mem>>
        %dma_start3A_109 = arith.constant 0 : i32
        %dma_start3A_110 = arith.constant 0 : i32
        %dma_start3A_111 = tpu.memref_slice %arg10[%run_scoped3A, %dma_start3A_109, %dma_start3A_110] : memref<2x128x128xf32, #tpu.memory_space<vmem>> -> memref<1x128x128xf32, #tpu.memory_space<vmem>>
        %dma_start3A_112 = tpu.memref_squeeze %dma_start3A_111 : memref<1x128x128xf32, #tpu.memory_space<vmem>> -> memref<128x128xf32, #tpu.memory_space<vmem>>
        %dma_start3A_113 = arith.constant 0 : i32
        %dma_start3A_114 = tpu.memref_slice %arg9[%add3A_70, %dma_start3A_113] : memref<40x128xi32, #tpu.memory_space<vmem>> -> memref<1x128xi32, #tpu.memory_space<vmem>>
        %dma_start3A_115 = tpu.memref_squeeze %dma_start3A_114 : memref<1x128xi32, #tpu.memory_space<vmem>> -> memref<128xi32, #tpu.memory_space<vmem>>
        %dma_start3A_116 = arith.constant 0 : i32
        %dma_start3A_117 = arith.constant 0 : i32
        %dma_start3A_118 = tpu.memref_slice %arg7[%dma_start3A_116, %dma_start3A_117] : memref<10112x128xf32, #tpu.memory_space<vmem_shared>> -> memref<10112x128xf32, #tpu.memory_space<vmem_shared>>
        tpu.enqueue_indirect_dma source(%dma_start3A_112 : memref<128x128xf32, #tpu.memory_space<vmem>>) target(%dma_start3A_118 : memref<10112x128xf32, #tpu.memory_space<vmem_shared>>) offsets(%dma_start3A_115 : memref<128xi32, #tpu.memory_space<vmem>>) semaphore(%run_scoped3A_108 : memref<!tpu.dma_semaphore, #tpu.memory_space<semaphore_mem>>) {add = true}
        %dma_wait3A_119 = arith.constant 0 : i32
        %dma_wait3A_120 = arith.constant 0 : i32
        %dma_wait3A_121 = tpu.memref_slice %arg10[%run_scoped3A, %dma_wait3A_119, %dma_wait3A_120] : memref<2x128x128xf32, #tpu.memory_space<vmem>> -> memref<1x128x128xf32, #tpu.memory_space<vmem>>
        %dma_wait3A_122 = tpu.memref_squeeze %dma_wait3A_121 : memref<1x128x128xf32, #tpu.memory_space<vmem>> -> memref<128x128xf32, #tpu.memory_space<vmem>>
        %dma_wait3A_123 = arith.constant 0 : i32
        %dma_wait3A_124 = tpu.memref_slice %arg9[%add3A_70, %dma_wait3A_123] : memref<40x128xi32, #tpu.memory_space<vmem>> -> memref<1x128xi32, #tpu.memory_space<vmem>>
        %dma_wait3A_125 = tpu.memref_squeeze %dma_wait3A_124 : memref<1x128xi32, #tpu.memory_space<vmem>> -> memref<128xi32, #tpu.memory_space<vmem>>
        %dma_wait3A_126 = arith.constant 0 : i32
        %dma_wait3A_127 = arith.constant 0 : i32
        %dma_wait3A_128 = tpu.memref_slice %arg7[%dma_wait3A_126, %dma_wait3A_127] : memref<10112x128xf32, #tpu.memory_space<vmem_shared>> -> memref<10112x128xf32, #tpu.memory_space<vmem_shared>>
        tpu.wait_indirect_dma semaphore(%run_scoped3A_108 : memref<!tpu.dma_semaphore, #tpu.memory_space<semaphore_mem>>) src(%dma_wait3A_122 : memref<128x128xf32, #tpu.memory_space<vmem>>) dst(%dma_wait3A_128 : memref<10112x128xf32, #tpu.memory_space<vmem_shared>>)
        tpu.yield
      }) : () -> ()
      %add3A_81 = arith.constant 2 : i32
      %add3A_82 = arith.addi %add3A_70, %add3A_81 : i32
      %lt3A = arith.constant 40 : i32
      %lt3A_83 = arith.cmpi slt, %add3A_82, %lt3A : i32
      %convert_element_type3A = arith.extui %lt3A_83 : i1 to i32
      %cond3A = arith.constant 0 : i32
      %cond3A_84 = arith.cmpi ne, %convert_element_type3A, %cond3A : i32
      scf.if %cond3A_84 {
        %add3A_108 = arith.constant 2 : i32
        %add3A_109 = arith.addi %add3A_70, %add3A_108 : i32
        %dma_start3A_110 = arith.constant 0 : i32
        %dma_start3A_111 = arith.constant 0 : i32
        %dma_start3A_112 = arith.constant 0 : i32
        %dma_start3A_113 = tpu.memref_slice %arg10[%dma_start3A_110, %dma_start3A_111, %dma_start3A_112] : memref<2x128x128xf32, #tpu.memory_space<vmem>> -> memref<1x128x128xf32, #tpu.memory_space<vmem>>
        %dma_start3A_114 = tpu.memref_squeeze %dma_start3A_113 : memref<1x128x128xf32, #tpu.memory_space<vmem>> -> memref<128x128xf32, #tpu.memory_space<vmem>>
        %dma_start3A_115 = arith.constant 0 : i32
        %dma_start3A_116 = tpu.memref_slice %arg8[%add3A_109, %dma_start3A_115] : memref<40x128xi32, #tpu.memory_space<vmem>> -> memref<1x128xi32, #tpu.memory_space<vmem>>
        %dma_start3A_117 = tpu.memref_squeeze %dma_start3A_116 : memref<1x128xi32, #tpu.memory_space<vmem>> -> memref<128xi32, #tpu.memory_space<vmem>>
        %dma_start3A_118 = arith.constant 0 : i32
        %dma_start3A_119 = arith.constant 0 : i32
        %dma_start3A_120 = tpu.memref_slice %arg2[%dma_start3A_118, %dma_start3A_119] : memref<10112x128xf32, #tpu.memory_space<hbm>> -> memref<10112x128xf32, #tpu.memory_space<hbm>>
        tpu.enqueue_indirect_dma source(%dma_start3A_120 : memref<10112x128xf32, #tpu.memory_space<hbm>>) target(%dma_start3A_114 : memref<128x128xf32, #tpu.memory_space<vmem>>) offsets(%dma_start3A_117 : memref<128xi32, #tpu.memory_space<vmem>>) semaphore(%arg11 : memref<!tpu.dma_semaphore, #tpu.memory_space<semaphore_mem>>)
      } else {
      }
      %mul3A_85 = arith.constant 2 : i32
      %mul3A_86 = arith.muli %scan3A_66, %mul3A_85 : i32
      %add3A_87 = arith.constant 1 : i32
      %add3A_88 = arith.addi %mul3A_86, %add3A_87 : i32
      %dma_wait3A_89 = arith.constant 1 : i32
      %dma_wait3A_90 = arith.constant 0 : i32
      %dma_wait3A_91 = arith.constant 0 : i32
      %dma_wait3A_92 = tpu.memref_slice %arg10[%dma_wait3A_89, %dma_wait3A_90, %dma_wait3A_91] : memref<2x128x128xf32, #tpu.memory_space<vmem>> -> memref<1x128x128xf32, #tpu.memory_space<vmem>>
      %dma_wait3A_93 = tpu.memref_squeeze %dma_wait3A_92 : memref<1x128x128xf32, #tpu.memory_space<vmem>> -> memref<128x128xf32, #tpu.memory_space<vmem>>
      %dma_wait3A_94 = arith.constant 0 : i32
      %dma_wait3A_95 = tpu.memref_slice %arg8[%add3A_88, %dma_wait3A_94] : memref<40x128xi32, #tpu.memory_space<vmem>> -> memref<1x128xi32, #tpu.memory_space<vmem>>
      %dma_wait3A_96 = tpu.memref_squeeze %dma_wait3A_95 : memref<1x128xi32, #tpu.memory_space<vmem>> -> memref<128xi32, #tpu.memory_space<vmem>>
      %dma_wait3A_97 = arith.constant 0 : i32
      %dma_wait3A_98 = arith.constant 0 : i32
      %dma_wait3A_99 = tpu.memref_slice %arg2[%dma_wait3A_97, %dma_wait3A_98] : memref<10112x128xf32, #tpu.memory_space<hbm>> -> memref<10112x128xf32, #tpu.memory_space<hbm>>
      tpu.wait_indirect_dma semaphore(%arg12 : memref<!tpu.dma_semaphore, #tpu.memory_space<semaphore_mem>>) src(%dma_wait3A_99 : memref<10112x128xf32, #tpu.memory_space<hbm>>) dst(%dma_wait3A_93 : memref<128x128xf32, #tpu.memory_space<vmem>>)
      %run_scoped3A_100 = arith.constant 1 : i32
      "tpu.region"() ({
        %run_scoped3A_108 = tpu.sem_alloc : memref<!tpu.dma_semaphore, #tpu.memory_space<semaphore_mem>>
        %dma_start3A_109 = arith.constant 0 : i32
        %dma_start3A_110 = arith.constant 0 : i32
        %dma_start3A_111 = tpu.memref_slice %arg10[%run_scoped3A_100, %dma_start3A_109, %dma_start3A_110] : memref<2x128x128xf32, #tpu.memory_space<vmem>> -> memref<1x128x128xf32, #tpu.memory_space<vmem>>
        %dma_start3A_112 = tpu.memref_squeeze %dma_start3A_111 : memref<1x128x128xf32, #tpu.memory_space<vmem>> -> memref<128x128xf32, #tpu.memory_space<vmem>>
        %dma_start3A_113 = arith.constant 0 : i32
        %dma_start3A_114 = tpu.memref_slice %arg9[%add3A_88, %dma_start3A_113] : memref<40x128xi32, #tpu.memory_space<vmem>> -> memref<1x128xi32, #tpu.memory_space<vmem>>
        %dma_start3A_115 = tpu.memref_squeeze %dma_start3A_114 : memref<1x128xi32, #tpu.memory_space<vmem>> -> memref<128xi32, #tpu.memory_space<vmem>>
        %dma_start3A_116 = arith.constant 0 : i32
        %dma_start3A_117 = arith.constant 0 : i32
        %dma_start3A_118 = tpu.memref_slice %arg7[%dma_start3A_116, %dma_start3A_117] : memref<10112x128xf32, #tpu.memory_space<vmem_shared>> -> memref<10112x128xf32, #tpu.memory_space<vmem_shared>>
        tpu.enqueue_indirect_dma source(%dma_start3A_112 : memref<128x128xf32, #tpu.memory_space<vmem>>) target(%dma_start3A_118 : memref<10112x128xf32, #tpu.memory_space<vmem_shared>>) offsets(%dma_start3A_115 : memref<128xi32, #tpu.memory_space<vmem>>) semaphore(%run_scoped3A_108 : memref<!tpu.dma_semaphore, #tpu.memory_space<semaphore_mem>>) {add = true}
        %dma_wait3A_119 = arith.constant 0 : i32
        %dma_wait3A_120 = arith.constant 0 : i32
        %dma_wait3A_121 = tpu.memref_slice %arg10[%run_scoped3A_100, %dma_wait3A_119, %dma_wait3A_120] : memref<2x128x128xf32, #tpu.memory_space<vmem>> -> memref<1x128x128xf32, #tpu.memory_space<vmem>>
        %dma_wait3A_122 = tpu.memref_squeeze %dma_wait3A_121 : memref<1x128x128xf32, #tpu.memory_space<vmem>> -> memref<128x128xf32, #tpu.memory_space<vmem>>
        %dma_wait3A_123 = arith.constant 0 : i32
        %dma_wait3A_124 = tpu.memref_slice %arg9[%add3A_88, %dma_wait3A_123] : memref<40x128xi32, #tpu.memory_space<vmem>> -> memref<1x128xi32, #tpu.memory_space<vmem>>
        %dma_wait3A_125 = tpu.memref_squeeze %dma_wait3A_124 : memref<1x128xi32, #tpu.memory_space<vmem>> -> memref<128xi32, #tpu.memory_space<vmem>>
        %dma_wait3A_126 = arith.constant 0 : i32
        %dma_wait3A_127 = arith.constant 0 : i32
        %dma_wait3A_128 = tpu.memref_slice %arg7[%dma_wait3A_126, %dma_wait3A_127] : memref<10112x128xf32, #tpu.memory_space<vmem_shared>> -> memref<10112x128xf32, #tpu.memory_space<vmem_shared>>
        tpu.wait_indirect_dma semaphore(%run_scoped3A_108 : memref<!tpu.dma_semaphore, #tpu.memory_space<semaphore_mem>>) src(%dma_wait3A_122 : memref<128x128xf32, #tpu.memory_space<vmem>>) dst(%dma_wait3A_128 : memref<10112x128xf32, #tpu.memory_space<vmem_shared>>)
        tpu.yield
      }) : () -> ()
      %add3A_101 = arith.constant 2 : i32
      %add3A_102 = arith.addi %add3A_88, %add3A_101 : i32
      %lt3A_103 = arith.constant 40 : i32
      %lt3A_104 = arith.cmpi slt, %add3A_102, %lt3A_103 : i32
      %convert_element_type3A_105 = arith.extui %lt3A_104 : i1 to i32
      %cond3A_106 = arith.constant 0 : i32
      %cond3A_107 = arith.cmpi ne, %convert_element_type3A_105, %cond3A_106 : i32
      scf.if %cond3A_107 {
        %add3A_108 = arith.constant 2 : i32
        %add3A_109 = arith.addi %add3A_88, %add3A_108 : i32
        %dma_start3A_110 = arith.constant 1 : i32
        %dma_start3A_111 = arith.constant 0 : i32
        %dma_start3A_112 = arith.constant 0 : i32
        %dma_start3A_113 = tpu.memref_slice %arg10[%dma_start3A_110, %dma_start3A_111, %dma_start3A_112] : memref<2x128x128xf32, #tpu.memory_space<vmem>> -> memref<1x128x128xf32, #tpu.memory_space<vmem>>
        %dma_start3A_114 = tpu.memref_squeeze %dma_start3A_113 : memref<1x128x128xf32, #tpu.memory_space<vmem>> -> memref<128x128xf32, #tpu.memory_space<vmem>>
        %dma_start3A_115 = arith.constant 0 : i32
        %dma_start3A_116 = tpu.memref_slice %arg8[%add3A_109, %dma_start3A_115] : memref<40x128xi32, #tpu.memory_space<vmem>> -> memref<1x128xi32, #tpu.memory_space<vmem>>
        %dma_start3A_117 = tpu.memref_squeeze %dma_start3A_116 : memref<1x128xi32, #tpu.memory_space<vmem>> -> memref<128xi32, #tpu.memory_space<vmem>>
        %dma_start3A_118 = arith.constant 0 : i32
        %dma_start3A_119 = arith.constant 0 : i32
        %dma_start3A_120 = tpu.memref_slice %arg2[%dma_start3A_118, %dma_start3A_119] : memref<10112x128xf32, #tpu.memory_space<hbm>> -> memref<10112x128xf32, #tpu.memory_space<hbm>>
        tpu.enqueue_indirect_dma source(%dma_start3A_120 : memref<10112x128xf32, #tpu.memory_space<hbm>>) target(%dma_start3A_114 : memref<128x128xf32, #tpu.memory_space<vmem>>) offsets(%dma_start3A_117 : memref<128xi32, #tpu.memory_space<vmem>>) semaphore(%arg12 : memref<!tpu.dma_semaphore, #tpu.memory_space<semaphore_mem>>)
      } else {
      }
    }
    %scan3A_30 = arith.constant 20 : i32
    "tpu.region"() ({
      %run_scoped3A = tpu.sem_alloc : memref<!tpu.dma_semaphore, #tpu.memory_space<semaphore_mem>>
      %dma_start3A_66 = arith.constant 40 : i32
      %dma_start3A_67 = arith.constant 0 : i32
      %dma_start3A_68 = tpu.memref_slice %arg3[%add3A, %dma_start3A_66, %dma_start3A_67] : memref<32x80x128xi32, #tpu.memory_space<hbm>> -> memref<1x40x128xi32, #tpu.memory_space<hbm>>
      %dma_start3A_69 = tpu.memref_squeeze %dma_start3A_68 : memref<1x40x128xi32, #tpu.memory_space<hbm>> -> memref<40x128xi32, #tpu.memory_space<hbm>>
      %dma_start3A_70 = arith.constant 40 : i32
      %dma_start3A_71 = arith.constant 0 : i32
      %dma_start3A_72 = tpu.memref_slice %arg3[%add3A, %dma_start3A_70, %dma_start3A_71] : memref<32x80x128xi32, #tpu.memory_space<hbm>> -> memref<1x40x128xi32, #tpu.memory_space<hbm>>
      %dma_start3A_73 = tpu.memref_squeeze %dma_start3A_72 : memref<1x40x128xi32, #tpu.memory_space<hbm>> -> memref<40x128xi32, #tpu.memory_space<hbm>>
      tpu.enqueue_dma source(%dma_start3A_73 : memref<40x128xi32, #tpu.memory_space<hbm>>) target(%arg8 : memref<40x128xi32, #tpu.memory_space<vmem>>) target_semaphore(%run_scoped3A : memref<!tpu.dma_semaphore, #tpu.memory_space<semaphore_mem>>)
      %dma_wait3A = arith.constant 40 : i32
      %dma_wait3A_74 = arith.constant 0 : i32
      %dma_wait3A_75 = tpu.memref_slice %arg3[%add3A, %dma_wait3A, %dma_wait3A_74] : memref<32x80x128xi32, #tpu.memory_space<hbm>> -> memref<1x40x128xi32, #tpu.memory_space<hbm>>
      %dma_wait3A_76 = tpu.memref_squeeze %dma_wait3A_75 : memref<1x40x128xi32, #tpu.memory_space<hbm>> -> memref<40x128xi32, #tpu.memory_space<hbm>>
      %dma_wait3A_77 = arith.constant 40 : i32
      %dma_wait3A_78 = arith.constant 0 : i32
      %dma_wait3A_79 = tpu.memref_slice %arg3[%add3A, %dma_wait3A_77, %dma_wait3A_78] : memref<32x80x128xi32, #tpu.memory_space<hbm>> -> memref<1x40x128xi32, #tpu.memory_space<hbm>>
      %dma_wait3A_80 = tpu.memref_squeeze %dma_wait3A_79 : memref<1x40x128xi32, #tpu.memory_space<hbm>> -> memref<40x128xi32, #tpu.memory_space<hbm>>
      tpu.wait_dma2 semaphore(%run_scoped3A : memref<!tpu.dma_semaphore, #tpu.memory_space<semaphore_mem>>) src(%dma_wait3A_80 : memref<40x128xi32, #tpu.memory_space<hbm>>) dst(%arg8 : memref<40x128xi32, #tpu.memory_space<vmem>>)
      tpu.yield
    }) : () -> ()
    "tpu.region"() ({
      %run_scoped3A = tpu.sem_alloc : memref<!tpu.dma_semaphore, #tpu.memory_space<semaphore_mem>>
      %dma_start3A_66 = arith.constant 40 : i32
      %dma_start3A_67 = arith.constant 0 : i32
      %dma_start3A_68 = tpu.memref_slice %arg4[%add3A, %dma_start3A_66, %dma_start3A_67] : memref<32x80x128xi32, #tpu.memory_space<hbm>> -> memref<1x40x128xi32, #tpu.memory_space<hbm>>
      %dma_start3A_69 = tpu.memref_squeeze %dma_start3A_68 : memref<1x40x128xi32, #tpu.memory_space<hbm>> -> memref<40x128xi32, #tpu.memory_space<hbm>>
      %dma_start3A_70 = arith.constant 40 : i32
      %dma_start3A_71 = arith.constant 0 : i32
      %dma_start3A_72 = tpu.memref_slice %arg4[%add3A, %dma_start3A_70, %dma_start3A_71] : memref<32x80x128xi32, #tpu.memory_space<hbm>> -> memref<1x40x128xi32, #tpu.memory_space<hbm>>
      %dma_start3A_73 = tpu.memref_squeeze %dma_start3A_72 : memref<1x40x128xi32, #tpu.memory_space<hbm>> -> memref<40x128xi32, #tpu.memory_space<hbm>>
      tpu.enqueue_dma source(%dma_start3A_73 : memref<40x128xi32, #tpu.memory_space<hbm>>) target(%arg9 : memref<40x128xi32, #tpu.memory_space<vmem>>) target_semaphore(%run_scoped3A : memref<!tpu.dma_semaphore, #tpu.memory_space<semaphore_mem>>)
      %dma_wait3A = arith.constant 40 : i32
      %dma_wait3A_74 = arith.constant 0 : i32
      %dma_wait3A_75 = tpu.memref_slice %arg4[%add3A, %dma_wait3A, %dma_wait3A_74] : memref<32x80x128xi32, #tpu.memory_space<hbm>> -> memref<1x40x128xi32, #tpu.memory_space<hbm>>
      %dma_wait3A_76 = tpu.memref_squeeze %dma_wait3A_75 : memref<1x40x128xi32, #tpu.memory_space<hbm>> -> memref<40x128xi32, #tpu.memory_space<hbm>>
      %dma_wait3A_77 = arith.constant 40 : i32
      %dma_wait3A_78 = arith.constant 0 : i32
      %dma_wait3A_79 = tpu.memref_slice %arg4[%add3A, %dma_wait3A_77, %dma_wait3A_78] : memref<32x80x128xi32, #tpu.memory_space<hbm>> -> memref<1x40x128xi32, #tpu.memory_space<hbm>>
      %dma_wait3A_80 = tpu.memref_squeeze %dma_wait3A_79 : memref<1x40x128xi32, #tpu.memory_space<hbm>> -> memref<40x128xi32, #tpu.memory_space<hbm>>
      tpu.wait_dma2 semaphore(%run_scoped3A : memref<!tpu.dma_semaphore, #tpu.memory_space<semaphore_mem>>) src(%dma_wait3A_80 : memref<40x128xi32, #tpu.memory_space<hbm>>) dst(%arg9 : memref<40x128xi32, #tpu.memory_space<vmem>>)
      tpu.yield
    }) : () -> ()
    %dma_start3A_31 = arith.constant 0 : i32
    %dma_start3A_32 = arith.constant 0 : i32
    %dma_start3A_33 = arith.constant 0 : i32
    %dma_start3A_34 = arith.constant 0 : i32
    %dma_start3A_35 = tpu.memref_slice %arg10[%dma_start3A_32, %dma_start3A_33, %dma_start3A_34] : memref<2x128x128xf32, #tpu.memory_space<vmem>> -> memref<1x128x128xf32, #tpu.memory_space<vmem>>
    %dma_start3A_36 = tpu.memref_squeeze %dma_start3A_35 : memref<1x128x128xf32, #tpu.memory_space<vmem>> -> memref<128x128xf32, #tpu.memory_space<vmem>>
    %dma_start3A_37 = arith.constant 0 : i32
    %dma_start3A_38 = tpu.memref_slice %arg8[%dma_start3A_31, %dma_start3A_37] : memref<40x128xi32, #tpu.memory_space<vmem>> -> memref<1x128xi32, #tpu.memory_space<vmem>>
    %dma_start3A_39 = tpu.memref_squeeze %dma_start3A_38 : memref<1x128xi32, #tpu.memory_space<vmem>> -> memref<128xi32, #tpu.memory_space<vmem>>
    %dma_start3A_40 = arith.constant 0 : i32
    %dma_start3A_41 = arith.constant 0 : i32
    %dma_start3A_42 = tpu.memref_slice %arg2[%dma_start3A_40, %dma_start3A_41] : memref<10112x128xf32, #tpu.memory_space<hbm>> -> memref<10112x128xf32, #tpu.memory_space<hbm>>
    tpu.enqueue_indirect_dma source(%dma_start3A_42 : memref<10112x128xf32, #tpu.memory_space<hbm>>) target(%dma_start3A_36 : memref<128x128xf32, #tpu.memory_space<vmem>>) offsets(%dma_start3A_39 : memref<128xi32, #tpu.memory_space<vmem>>) semaphore(%arg11 : memref<!tpu.dma_semaphore, #tpu.memory_space<semaphore_mem>>)
    %dma_start3A_43 = arith.constant 1 : i32
    %dma_start3A_44 = arith.constant 1 : i32
    %dma_start3A_45 = arith.constant 0 : i32
    %dma_start3A_46 = arith.constant 0 : i32
    %dma_start3A_47 = tpu.memref_slice %arg10[%dma_start3A_44, %dma_start3A_45, %dma_start3A_46] : memref<2x128x128xf32, #tpu.memory_space<vmem>> -> memref<1x128x128xf32, #tpu.memory_space<vmem>>
    %dma_start3A_48 = tpu.memref_squeeze %dma_start3A_47 : memref<1x128x128xf32, #tpu.memory_space<vmem>> -> memref<128x128xf32, #tpu.memory_space<vmem>>
    %dma_start3A_49 = arith.constant 0 : i32
    %dma_start3A_50 = tpu.memref_slice %arg8[%dma_start3A_43, %dma_start3A_49] : memref<40x128xi32, #tpu.memory_space<vmem>> -> memref<1x128xi32, #tpu.memory_space<vmem>>
    %dma_start3A_51 = tpu.memref_squeeze %dma_start3A_50 : memref<1x128xi32, #tpu.memory_space<vmem>> -> memref<128xi32, #tpu.memory_space<vmem>>
    %dma_start3A_52 = arith.constant 0 : i32
    %dma_start3A_53 = arith.constant 0 : i32
    %dma_start3A_54 = tpu.memref_slice %arg2[%dma_start3A_52, %dma_start3A_53] : memref<10112x128xf32, #tpu.memory_space<hbm>> -> memref<10112x128xf32, #tpu.memory_space<hbm>>
    tpu.enqueue_indirect_dma source(%dma_start3A_54 : memref<10112x128xf32, #tpu.memory_space<hbm>>) target(%dma_start3A_48 : memref<128x128xf32, #tpu.memory_space<vmem>>) offsets(%dma_start3A_51 : memref<128xi32, #tpu.memory_space<vmem>>) semaphore(%arg12 : memref<!tpu.dma_semaphore, #tpu.memory_space<semaphore_mem>>)
    %scan3A_55 = arith.constant 0 : i32
    %scan3A_56 = arith.constant 0 : i32
    %scan3A_57 = arith.constant 20 : i32
    %scan3A_58 = arith.addi %scan3A_56, %scan3A_57 : i32
    %scan3A_59 = arith.constant 1 : i32
    scf.for %scan3A_66 = %scan3A_56 to %scan3A_58 step %scan3A_59  : i32 {
      %mul3A_67 = arith.constant 2 : i32
      %mul3A_68 = arith.muli %scan3A_66, %mul3A_67 : i32
      %add3A_69 = arith.constant 0 : i32
      %add3A_70 = arith.addi %mul3A_68, %add3A_69 : i32
      %dma_wait3A = arith.constant 0 : i32
      %dma_wait3A_71 = arith.constant 0 : i32
      %dma_wait3A_72 = arith.constant 0 : i32
      %dma_wait3A_73 = tpu.memref_slice %arg10[%dma_wait3A, %dma_wait3A_71, %dma_wait3A_72] : memref<2x128x128xf32, #tpu.memory_space<vmem>> -> memref<1x128x128xf32, #tpu.memory_space<vmem>>
      %dma_wait3A_74 = tpu.memref_squeeze %dma_wait3A_73 : memref<1x128x128xf32, #tpu.memory_space<vmem>> -> memref<128x128xf32, #tpu.memory_space<vmem>>
      %dma_wait3A_75 = arith.constant 0 : i32
      %dma_wait3A_76 = tpu.memref_slice %arg8[%add3A_70, %dma_wait3A_75] : memref<40x128xi32, #tpu.memory_space<vmem>> -> memref<1x128xi32, #tpu.memory_space<vmem>>
      %dma_wait3A_77 = tpu.memref_squeeze %dma_wait3A_76 : memref<1x128xi32, #tpu.memory_space<vmem>> -> memref<128xi32, #tpu.memory_space<vmem>>
      %dma_wait3A_78 = arith.constant 0 : i32
      %dma_wait3A_79 = arith.constant 0 : i32
      %dma_wait3A_80 = tpu.memref_slice %arg2[%dma_wait3A_78, %dma_wait3A_79] : memref<10112x128xf32, #tpu.memory_space<hbm>> -> memref<10112x128xf32, #tpu.memory_space<hbm>>
      tpu.wait_indirect_dma semaphore(%arg11 : memref<!tpu.dma_semaphore, #tpu.memory_space<semaphore_mem>>) src(%dma_wait3A_80 : memref<10112x128xf32, #tpu.memory_space<hbm>>) dst(%dma_wait3A_74 : memref<128x128xf32, #tpu.memory_space<vmem>>)
      %run_scoped3A = arith.constant 0 : i32
      "tpu.region"() ({
        %run_scoped3A_108 = tpu.sem_alloc : memref<!tpu.dma_semaphore, #tpu.memory_space<semaphore_mem>>
        %dma_start3A_109 = arith.constant 0 : i32
        %dma_start3A_110 = arith.constant 0 : i32
        %dma_start3A_111 = tpu.memref_slice %arg10[%run_scoped3A, %dma_start3A_109, %dma_start3A_110] : memref<2x128x128xf32, #tpu.memory_space<vmem>> -> memref<1x128x128xf32, #tpu.memory_space<vmem>>
        %dma_start3A_112 = tpu.memref_squeeze %dma_start3A_111 : memref<1x128x128xf32, #tpu.memory_space<vmem>> -> memref<128x128xf32, #tpu.memory_space<vmem>>
        %dma_start3A_113 = arith.constant 0 : i32
        %dma_start3A_114 = tpu.memref_slice %arg9[%add3A_70, %dma_start3A_113] : memref<40x128xi32, #tpu.memory_space<vmem>> -> memref<1x128xi32, #tpu.memory_space<vmem>>
        %dma_start3A_115 = tpu.memref_squeeze %dma_start3A_114 : memref<1x128xi32, #tpu.memory_space<vmem>> -> memref<128xi32, #tpu.memory_space<vmem>>
        %dma_start3A_116 = arith.constant 0 : i32
        %dma_start3A_117 = arith.constant 0 : i32
        %dma_start3A_118 = tpu.memref_slice %arg7[%dma_start3A_116, %dma_start3A_117] : memref<10112x128xf32, #tpu.memory_space<vmem_shared>> -> memref<10112x128xf32, #tpu.memory_space<vmem_shared>>
        tpu.enqueue_indirect_dma source(%dma_start3A_112 : memref<128x128xf32, #tpu.memory_space<vmem>>) target(%dma_start3A_118 : memref<10112x128xf32, #tpu.memory_space<vmem_shared>>) offsets(%dma_start3A_115 : memref<128xi32, #tpu.memory_space<vmem>>) semaphore(%run_scoped3A_108 : memref<!tpu.dma_semaphore, #tpu.memory_space<semaphore_mem>>) {add = true}
        %dma_wait3A_119 = arith.constant 0 : i32
        %dma_wait3A_120 = arith.constant 0 : i32
        %dma_wait3A_121 = tpu.memref_slice %arg10[%run_scoped3A, %dma_wait3A_119, %dma_wait3A_120] : memref<2x128x128xf32, #tpu.memory_space<vmem>> -> memref<1x128x128xf32, #tpu.memory_space<vmem>>
        %dma_wait3A_122 = tpu.memref_squeeze %dma_wait3A_121 : memref<1x128x128xf32, #tpu.memory_space<vmem>> -> memref<128x128xf32, #tpu.memory_space<vmem>>
        %dma_wait3A_123 = arith.constant 0 : i32
        %dma_wait3A_124 = tpu.memref_slice %arg9[%add3A_70, %dma_wait3A_123] : memref<40x128xi32, #tpu.memory_space<vmem>> -> memref<1x128xi32, #tpu.memory_space<vmem>>
        %dma_wait3A_125 = tpu.memref_squeeze %dma_wait3A_124 : memref<1x128xi32, #tpu.memory_space<vmem>> -> memref<128xi32, #tpu.memory_space<vmem>>
        %dma_wait3A_126 = arith.constant 0 : i32
        %dma_wait3A_127 = arith.constant 0 : i32
        %dma_wait3A_128 = tpu.memref_slice %arg7[%dma_wait3A_126, %dma_wait3A_127] : memref<10112x128xf32, #tpu.memory_space<vmem_shared>> -> memref<10112x128xf32, #tpu.memory_space<vmem_shared>>
        tpu.wait_indirect_dma semaphore(%run_scoped3A_108 : memref<!tpu.dma_semaphore, #tpu.memory_space<semaphore_mem>>) src(%dma_wait3A_122 : memref<128x128xf32, #tpu.memory_space<vmem>>) dst(%dma_wait3A_128 : memref<10112x128xf32, #tpu.memory_space<vmem_shared>>)
        tpu.yield
      }) : () -> ()
      %add3A_81 = arith.constant 2 : i32
      %add3A_82 = arith.addi %add3A_70, %add3A_81 : i32
      %lt3A = arith.constant 40 : i32
      %lt3A_83 = arith.cmpi slt, %add3A_82, %lt3A : i32
      %convert_element_type3A = arith.extui %lt3A_83 : i1 to i32
      %cond3A = arith.constant 0 : i32
      %cond3A_84 = arith.cmpi ne, %convert_element_type3A, %cond3A : i32
      scf.if %cond3A_84 {
        %add3A_108 = arith.constant 2 : i32
        %add3A_109 = arith.addi %add3A_70, %add3A_108 : i32
        %dma_start3A_110 = arith.constant 0 : i32
        %dma_start3A_111 = arith.constant 0 : i32
        %dma_start3A_112 = arith.constant 0 : i32
        %dma_start3A_113 = tpu.memref_slice %arg10[%dma_start3A_110, %dma_start3A_111, %dma_start3A_112] : memref<2x128x128xf32, #tpu.memory_space<vmem>> -> memref<1x128x128xf32, #tpu.memory_space<vmem>>
        %dma_start3A_114 = tpu.memref_squeeze %dma_start3A_113 : memref<1x128x128xf32, #tpu.memory_space<vmem>> -> memref<128x128xf32, #tpu.memory_space<vmem>>
        %dma_start3A_115 = arith.constant 0 : i32
        %dma_start3A_116 = tpu.memref_slice %arg8[%add3A_109, %dma_start3A_115] : memref<40x128xi32, #tpu.memory_space<vmem>> -> memref<1x128xi32, #tpu.memory_space<vmem>>
        %dma_start3A_117 = tpu.memref_squeeze %dma_start3A_116 : memref<1x128xi32, #tpu.memory_space<vmem>> -> memref<128xi32, #tpu.memory_space<vmem>>
        %dma_start3A_118 = arith.constant 0 : i32
        %dma_start3A_119 = arith.constant 0 : i32
        %dma_start3A_120 = tpu.memref_slice %arg2[%dma_start3A_118, %dma_start3A_119] : memref<10112x128xf32, #tpu.memory_space<hbm>> -> memref<10112x128xf32, #tpu.memory_space<hbm>>
        tpu.enqueue_indirect_dma source(%dma_start3A_120 : memref<10112x128xf32, #tpu.memory_space<hbm>>) target(%dma_start3A_114 : memref<128x128xf32, #tpu.memory_space<vmem>>) offsets(%dma_start3A_117 : memref<128xi32, #tpu.memory_space<vmem>>) semaphore(%arg11 : memref<!tpu.dma_semaphore, #tpu.memory_space<semaphore_mem>>)
      } else {
      }
      %mul3A_85 = arith.constant 2 : i32
      %mul3A_86 = arith.muli %scan3A_66, %mul3A_85 : i32
      %add3A_87 = arith.constant 1 : i32
      %add3A_88 = arith.addi %mul3A_86, %add3A_87 : i32
      %dma_wait3A_89 = arith.constant 1 : i32
      %dma_wait3A_90 = arith.constant 0 : i32
      %dma_wait3A_91 = arith.constant 0 : i32
      %dma_wait3A_92 = tpu.memref_slice %arg10[%dma_wait3A_89, %dma_wait3A_90, %dma_wait3A_91] : memref<2x128x128xf32, #tpu.memory_space<vmem>> -> memref<1x128x128xf32, #tpu.memory_space<vmem>>
      %dma_wait3A_93 = tpu.memref_squeeze %dma_wait3A_92 : memref<1x128x128xf32, #tpu.memory_space<vmem>> -> memref<128x128xf32, #tpu.memory_space<vmem>>
      %dma_wait3A_94 = arith.constant 0 : i32
      %dma_wait3A_95 = tpu.memref_slice %arg8[%add3A_88, %dma_wait3A_94] : memref<40x128xi32, #tpu.memory_space<vmem>> -> memref<1x128xi32, #tpu.memory_space<vmem>>
      %dma_wait3A_96 = tpu.memref_squeeze %dma_wait3A_95 : memref<1x128xi32, #tpu.memory_space<vmem>> -> memref<128xi32, #tpu.memory_space<vmem>>
      %dma_wait3A_97 = arith.constant 0 : i32
      %dma_wait3A_98 = arith.constant 0 : i32
      %dma_wait3A_99 = tpu.memref_slice %arg2[%dma_wait3A_97, %dma_wait3A_98] : memref<10112x128xf32, #tpu.memory_space<hbm>> -> memref<10112x128xf32, #tpu.memory_space<hbm>>
      tpu.wait_indirect_dma semaphore(%arg12 : memref<!tpu.dma_semaphore, #tpu.memory_space<semaphore_mem>>) src(%dma_wait3A_99 : memref<10112x128xf32, #tpu.memory_space<hbm>>) dst(%dma_wait3A_93 : memref<128x128xf32, #tpu.memory_space<vmem>>)
      %run_scoped3A_100 = arith.constant 1 : i32
      "tpu.region"() ({
        %run_scoped3A_108 = tpu.sem_alloc : memref<!tpu.dma_semaphore, #tpu.memory_space<semaphore_mem>>
        %dma_start3A_109 = arith.constant 0 : i32
        %dma_start3A_110 = arith.constant 0 : i32
        %dma_start3A_111 = tpu.memref_slice %arg10[%run_scoped3A_100, %dma_start3A_109, %dma_start3A_110] : memref<2x128x128xf32, #tpu.memory_space<vmem>> -> memref<1x128x128xf32, #tpu.memory_space<vmem>>
        %dma_start3A_112 = tpu.memref_squeeze %dma_start3A_111 : memref<1x128x128xf32, #tpu.memory_space<vmem>> -> memref<128x128xf32, #tpu.memory_space<vmem>>
        %dma_start3A_113 = arith.constant 0 : i32
        %dma_start3A_114 = tpu.memref_slice %arg9[%add3A_88, %dma_start3A_113] : memref<40x128xi32, #tpu.memory_space<vmem>> -> memref<1x128xi32, #tpu.memory_space<vmem>>
        %dma_start3A_115 = tpu.memref_squeeze %dma_start3A_114 : memref<1x128xi32, #tpu.memory_space<vmem>> -> memref<128xi32, #tpu.memory_space<vmem>>
        %dma_start3A_116 = arith.constant 0 : i32
        %dma_start3A_117 = arith.constant 0 : i32
        %dma_start3A_118 = tpu.memref_slice %arg7[%dma_start3A_116, %dma_start3A_117] : memref<10112x128xf32, #tpu.memory_space<vmem_shared>> -> memref<10112x128xf32, #tpu.memory_space<vmem_shared>>
        tpu.enqueue_indirect_dma source(%dma_start3A_112 : memref<128x128xf32, #tpu.memory_space<vmem>>) target(%dma_start3A_118 : memref<10112x128xf32, #tpu.memory_space<vmem_shared>>) offsets(%dma_start3A_115 : memref<128xi32, #tpu.memory_space<vmem>>) semaphore(%run_scoped3A_108 : memref<!tpu.dma_semaphore, #tpu.memory_space<semaphore_mem>>) {add = true}
        %dma_wait3A_119 = arith.constant 0 : i32
        %dma_wait3A_120 = arith.constant 0 : i32
        %dma_wait3A_121 = tpu.memref_slice %arg10[%run_scoped3A_100, %dma_wait3A_119, %dma_wait3A_120] : memref<2x128x128xf32, #tpu.memory_space<vmem>> -> memref<1x128x128xf32, #tpu.memory_space<vmem>>
        %dma_wait3A_122 = tpu.memref_squeeze %dma_wait3A_121 : memref<1x128x128xf32, #tpu.memory_space<vmem>> -> memref<128x128xf32, #tpu.memory_space<vmem>>
        %dma_wait3A_123 = arith.constant 0 : i32
        %dma_wait3A_124 = tpu.memref_slice %arg9[%add3A_88, %dma_wait3A_123] : memref<40x128xi32, #tpu.memory_space<vmem>> -> memref<1x128xi32, #tpu.memory_space<vmem>>
        %dma_wait3A_125 = tpu.memref_squeeze %dma_wait3A_124 : memref<1x128xi32, #tpu.memory_space<vmem>> -> memref<128xi32, #tpu.memory_space<vmem>>
        %dma_wait3A_126 = arith.constant 0 : i32
        %dma_wait3A_127 = arith.constant 0 : i32
        %dma_wait3A_128 = tpu.memref_slice %arg7[%dma_wait3A_126, %dma_wait3A_127] : memref<10112x128xf32, #tpu.memory_space<vmem_shared>> -> memref<10112x128xf32, #tpu.memory_space<vmem_shared>>
        tpu.wait_indirect_dma semaphore(%run_scoped3A_108 : memref<!tpu.dma_semaphore, #tpu.memory_space<semaphore_mem>>) src(%dma_wait3A_122 : memref<128x128xf32, #tpu.memory_space<vmem>>) dst(%dma_wait3A_128 : memref<10112x128xf32, #tpu.memory_space<vmem_shared>>)
        tpu.yield
      }) : () -> ()
      %add3A_101 = arith.constant 2 : i32
      %add3A_102 = arith.addi %add3A_88, %add3A_101 : i32
      %lt3A_103 = arith.constant 40 : i32
      %lt3A_104 = arith.cmpi slt, %add3A_102, %lt3A_103 : i32
      %convert_element_type3A_105 = arith.extui %lt3A_104 : i1 to i32
      %cond3A_106 = arith.constant 0 : i32
      %cond3A_107 = arith.cmpi ne, %convert_element_type3A_105, %cond3A_106 : i32
      scf.if %cond3A_107 {
        %add3A_108 = arith.constant 2 : i32
        %add3A_109 = arith.addi %add3A_88, %add3A_108 : i32
        %dma_start3A_110 = arith.constant 1 : i32
        %dma_start3A_111 = arith.constant 0 : i32
        %dma_start3A_112 = arith.constant 0 : i32
        %dma_start3A_113 = tpu.memref_slice %arg10[%dma_start3A_110, %dma_start3A_111, %dma_start3A_112] : memref<2x128x128xf32, #tpu.memory_space<vmem>> -> memref<1x128x128xf32, #tpu.memory_space<vmem>>
        %dma_start3A_114 = tpu.memref_squeeze %dma_start3A_113 : memref<1x128x128xf32, #tpu.memory_space<vmem>> -> memref<128x128xf32, #tpu.memory_space<vmem>>
        %dma_start3A_115 = arith.constant 0 : i32
        %dma_start3A_116 = tpu.memref_slice %arg8[%add3A_109, %dma_start3A_115] : memref<40x128xi32, #tpu.memory_space<vmem>> -> memref<1x128xi32, #tpu.memory_space<vmem>>
        %dma_start3A_117 = tpu.memref_squeeze %dma_start3A_116 : memref<1x128xi32, #tpu.memory_space<vmem>> -> memref<128xi32, #tpu.memory_space<vmem>>
        %dma_start3A_118 = arith.constant 0 : i32
        %dma_start3A_119 = arith.constant 0 : i32
        %dma_start3A_120 = tpu.memref_slice %arg2[%dma_start3A_118, %dma_start3A_119] : memref<10112x128xf32, #tpu.memory_space<hbm>> -> memref<10112x128xf32, #tpu.memory_space<hbm>>
        tpu.enqueue_indirect_dma source(%dma_start3A_120 : memref<10112x128xf32, #tpu.memory_space<hbm>>) target(%dma_start3A_114 : memref<128x128xf32, #tpu.memory_space<vmem>>) offsets(%dma_start3A_117 : memref<128xi32, #tpu.memory_space<vmem>>) semaphore(%arg12 : memref<!tpu.dma_semaphore, #tpu.memory_space<semaphore_mem>>)
      } else {
      }
    }
    %scan3A_60 = arith.constant 20 : i32
    %barrier3A_61 = arith.constant 0 : index
    tpu.barrier barrier_id(%barrier3A_61)
    %mul3A_62 = arith.constant 632 : i32
    %mul3A_63 = arith.muli %arg1, %mul3A_62 : i32
    %mul3A_64 = arith.constant 632 : i32
    %mul3A_65 = arith.muli %arg1, %mul3A_64 : i32
    "tpu.region"() ({
      %run_scoped3A = tpu.sem_alloc : memref<!tpu.dma_semaphore, #tpu.memory_space<semaphore_mem>>
      %dma_start3A_66 = arith.constant 0 : i32
      %dma_start3A_67 = tpu.memref_slice %arg6[%arg0, %mul3A_65, %dma_start3A_66] : memref<2x10112x128xf32, #tpu.memory_space<hbm>> -> memref<1x632x128xf32, #tpu.memory_space<hbm>>
      %dma_start3A_68 = tpu.memref_squeeze %dma_start3A_67 : memref<1x632x128xf32, #tpu.memory_space<hbm>> -> memref<632x128xf32, #tpu.memory_space<hbm>>
      %dma_start3A_69 = arith.constant 0 : i32
      %dma_start3A_70 = tpu.memref_slice %arg7[%mul3A_63, %dma_start3A_69] : memref<10112x128xf32, #tpu.memory_space<vmem_shared>> -> memref<632x128xf32, #tpu.memory_space<vmem_shared>>
      tpu.enqueue_dma source(%dma_start3A_70 : memref<632x128xf32, #tpu.memory_space<vmem_shared>>) target(%dma_start3A_68 : memref<632x128xf32, #tpu.memory_space<hbm>>) target_semaphore(%run_scoped3A : memref<!tpu.dma_semaphore, #tpu.memory_space<semaphore_mem>>)
      %dma_wait3A = arith.constant 0 : i32
      %dma_wait3A_71 = tpu.memref_slice %arg6[%arg0, %mul3A_65, %dma_wait3A] : memref<2x10112x128xf32, #tpu.memory_space<hbm>> -> memref<1x632x128xf32, #tpu.memory_space<hbm>>
      %dma_wait3A_72 = tpu.memref_squeeze %dma_wait3A_71 : memref<1x632x128xf32, #tpu.memory_space<hbm>> -> memref<632x128xf32, #tpu.memory_space<hbm>>
      %dma_wait3A_73 = arith.constant 0 : i32
      %dma_wait3A_74 = tpu.memref_slice %arg7[%mul3A_63, %dma_wait3A_73] : memref<10112x128xf32, #tpu.memory_space<vmem_shared>> -> memref<632x128xf32, #tpu.memory_space<vmem_shared>>
      tpu.wait_dma2 semaphore(%run_scoped3A : memref<!tpu.dma_semaphore, #tpu.memory_space<semaphore_mem>>) src(%dma_wait3A_74 : memref<632x128xf32, #tpu.memory_space<vmem_shared>>) dst(%dma_wait3A_72 : memref<632x128xf32, #tpu.memory_space<hbm>>)
      tpu.yield
    }) : () -> ()
    return
  }
}

module attributes {stable_mosaic.version = 14 : i64} {
  func.func @_tc1_body(%arg0: i32, %arg1: memref<128x128xf32, #tpu.memory_space<vmem>>, %arg2: memref<128x128xf32, #tpu.memory_space<vmem>>, %arg3: memref<1x128xf32, #tpu.memory_space<vmem>>, %arg4: memref<32x128xf32, #tpu.memory_space<vmem>>, %arg5: memref<128x128xf32, #tpu.memory_space<vmem>>, %arg6: memref<128x1xf32, #tpu.memory_space<vmem>>) attributes {dimension_semantics = [#tpu.dimension_semantics<arbitrary>], iteration_bounds = array<i64: 79>, scalar_prefetch = 0 : i64, scratch_operands = 0 : i64, tpu.core_type = #tpu.core_type<tc>, window_params = [{transform_indices = @transform_0, window_bounds = array<i64: 128, 128>}, {pipeline_mode = #tpu.pipeline_mode<synchronous>, transform_indices = @transform_1, window_bounds = array<i64: 128, 128>}, {pipeline_mode = #tpu.pipeline_mode<synchronous>, transform_indices = @transform_2, window_bounds = array<i64: 1, 128>}, {transform_indices = @transform_3, window_bounds = array<i64: 32, 128>}, {transform_indices = @transform_4, window_bounds = array<i64: 128, 128>}, {transform_indices = @transform_5, window_bounds = array<i64: 128, 1>}]} {
    %get3A = arith.constant 0 : index
    %get3A_0 = arith.constant 0 : index
    %get3A_1 = vector.load %arg1[%get3A, %get3A_0] : memref<128x128xf32, #tpu.memory_space<vmem>>, vector<128x128xf32>
    %get3A_2 = arith.constant 0 : index
    %get3A_3 = arith.constant 0 : index
    %get3A_4 = vector.load %arg2[%get3A_2, %get3A_3] : memref<128x128xf32, #tpu.memory_space<vmem>>, vector<128x128xf32>
    %dot_general3A = arith.constant dense<0.000000e+00> : vector<128x128xf32>
    %dot_general3A_5 = tpu.matmul %get3A_1, %get3A_4, %dot_general3A {dimension_numbers = #tpu.dot_dimension_numbers<[1], [0], [0], [1], [0, 0, 1, 1], [], []>, transpose_lhs_hint = false} : vector<128x128xf32>, vector<128x128xf32>, vector<128x128xf32> -> vector<128x128xf32>
    %get3A_6 = arith.constant 0 : index
    %get3A_7 = arith.constant 0 : index
    %get3A_8 = vector.load %arg3[%get3A_6, %get3A_7] : memref<1x128xf32, #tpu.memory_space<vmem>>, vector<1x128xf32>
    %add3A = vector.broadcast %get3A_8 : vector<1x128xf32> to vector<128x128xf32>
    %add3A_9 = arith.addf %dot_general3A_5, %add3A : vector<128x128xf32>
    %broadcast_in_dim3A = arith.constant 1.000000e+00 : f32
    %broadcast_in_dim3A_10 = vector.broadcast %broadcast_in_dim3A : f32 to vector<32x1xf32>
    %get3A_11 = arith.constant 0 : index
    %get3A_12 = arith.constant 0 : index
    %get3A_13 = vector.load %arg4[%get3A_11, %get3A_12] : memref<32x128xf32, #tpu.memory_space<vmem>>, vector<32x128xf32>
    %dot_general3A_14 = arith.constant dense<0.000000e+00> : vector<128x1xf32>
    %dot_general3A_15 = tpu.matmul %get3A_13, %broadcast_in_dim3A_10, %dot_general3A_14 {dimension_numbers = #tpu.dot_dimension_numbers<[0], [0], [1], [1], [0, 1, 1, 1], [], []>, transpose_lhs_hint = false} : vector<32x128xf32>, vector<32x1xf32>, vector<128x1xf32> -> vector<128x1xf32>
    %add3A_16 = arith.constant 1.000000e+00 : f32
    %add3A_17 = vector.broadcast %add3A_16 : f32 to vector<128x1xf32>
    %add3A_18 = arith.addf %dot_general3A_15, %add3A_17 : vector<128x1xf32>
    %mul3A = arith.constant 128 : i32
    %mul3A_19 = arith.muli %arg0, %mul3A : i32
    %iota3A = tpu.iota {dimensions = array<i32: 0>} : vector<128x1xi32>
    %add3A_20 = vector.broadcast %mul3A_19 : i32 to vector<128x1xi32>
    %add3A_21 = arith.addi %add3A_20, %iota3A : vector<128x1xi32>
    %lt3A = arith.constant 10000 : i32
    %lt3A_22 = vector.broadcast %lt3A : i32 to vector<128x1xi32>
    %lt3A_23 = arith.cmpi slt, %add3A_21, %lt3A_22 : vector<128x1xi32>
    %rsqrt3A = math.rsqrt %add3A_18 : vector<128x1xf32>
    %jit3A = arith.constant 0.000000e+00 : f32
    %broadcast_in_dim3A_24 = vector.broadcast %jit3A : f32 to vector<128x1xf32>
    %select_n3A = arith.select %lt3A_23, %rsqrt3A, %broadcast_in_dim3A_24 : vector<128x1xi1>, vector<128x1xf32>
    %mul3A_25 = vector.broadcast %select_n3A : vector<128x1xf32> to vector<128x128xf32>
    %mul3A_26 = arith.mulf %mul3A_25, %add3A_9 : vector<128x128xf32>
    %swap3A = arith.constant 0 : index
    %swap3A_27 = arith.constant 0 : index
    %swap3A_28 = vector.load %arg5[%swap3A, %swap3A_27] : memref<128x128xf32, #tpu.memory_space<vmem>>, vector<128x128xf32>
    tpu.vector_store %arg5[%swap3A, %swap3A_27], %mul3A_26 {strides = array<i32>} : memref<128x128xf32, #tpu.memory_space<vmem>>, vector<128x128xf32>,
    %swap3A_29 = arith.constant 0 : index
    %swap3A_30 = arith.constant 0 : index
    %swap3A_31 = vector.load %arg6[%swap3A_29, %swap3A_30] : memref<128x1xf32, #tpu.memory_space<vmem>>, vector<128x1xf32>
    tpu.vector_store %arg6[%swap3A_29, %swap3A_30], %select_n3A {strides = array<i32>} : memref<128x1xf32, #tpu.memory_space<vmem>>, vector<128x1xf32>,
    return
  }
  func.func @transform_0(%arg0: i32) -> (i32, i32) {
    %c0_i32 = arith.constant 0 : i32
    %c0_i32_0 = arith.constant 0 : i32
    return %arg0, %c0_i32 : i32, i32
  }
  func.func @transform_1(%arg0: i32) -> (i32, i32) {
    %c0_i32 = arith.constant 0 : i32
    %c0_i32_0 = arith.constant 0 : i32
    %c0_i32_1 = arith.constant 0 : i32
    return %c0_i32, %c0_i32_0 : i32, i32
  }
  func.func @transform_2(%arg0: i32) -> (i32, i32) {
    %c0_i32 = arith.constant 0 : i32
    %c0_i32_0 = arith.constant 0 : i32
    %c0_i32_1 = arith.constant 0 : i32
    return %c0_i32, %c0_i32_0 : i32, i32
  }
  func.func @transform_3(%arg0: i32) -> (i32, i32) {
    %c0_i32 = arith.constant 0 : i32
    %c0_i32_0 = arith.constant 0 : i32
    return %c0_i32, %arg0 : i32, i32
  }
  func.func @transform_4(%arg0: i32) -> (i32, i32) {
    %c0_i32 = arith.constant 0 : i32
    %c0_i32_0 = arith.constant 0 : i32
    return %arg0, %c0_i32 : i32, i32
  }
  func.func @transform_5(%arg0: i32) -> (i32, i32) {
    %c0_i32 = arith.constant 0 : i32
    %c0_i32_0 = arith.constant 0 : i32
    return %arg0, %c0_i32 : i32, i32
  }
}

module attributes {stable_mosaic.version = 14 : i64} {
  func.func @_tc2_body(%arg0: i32, %arg1: memref<2x128x128xf32, #tpu.memory_space<vmem>>, %arg2: memref<128x128xf32, #tpu.memory_space<vmem>>, %arg3: memref<128x1xf32, #tpu.memory_space<vmem>>, %arg4: memref<128x128xf32, #tpu.memory_space<vmem>>, %arg5: memref<1x128xf32, #tpu.memory_space<vmem>>, %arg6: memref<128x128xf32, #tpu.memory_space<vmem>>) attributes {dimension_semantics = [#tpu.dimension_semantics<arbitrary>], iteration_bounds = array<i64: 79>, scalar_prefetch = 0 : i64, scratch_operands = 0 : i64, tpu.core_type = #tpu.core_type<tc>, window_params = [{transform_indices = @transform_0, window_bounds = array<i64: 2, 128, 128>}, {transform_indices = @transform_1, window_bounds = array<i64: 128, 128>}, {transform_indices = @transform_2, window_bounds = array<i64: 128, 1>}, {pipeline_mode = #tpu.pipeline_mode<synchronous>, transform_indices = @transform_3, window_bounds = array<i64: 128, 128>}, {pipeline_mode = #tpu.pipeline_mode<synchronous>, transform_indices = @transform_4, window_bounds = array<i64: 1, 128>}, {transform_indices = @transform_5, window_bounds = array<i64: 128, 128>}]} {
    %get3A = arith.constant 0 : index
    %get3A_0 = arith.constant 0 : index
    %get3A_1 = vector.load %arg3[%get3A, %get3A_0] : memref<128x1xf32, #tpu.memory_space<vmem>>, vector<128x1xf32>
    %get3A_2 = arith.constant 0 : index
    %get3A_3 = arith.constant 0 : index
    %get3A_4 = arith.constant 0 : index
    %get3A_5 = vector.load %arg1[%get3A_2, %get3A_3, %get3A_4] : memref<2x128x128xf32, #tpu.memory_space<vmem>>, vector<1x128x128xf32>
    %get3A_6 = vector.shape_cast %get3A_5 : vector<1x128x128xf32> to vector<128x128xf32>
    %get3A_7 = arith.constant 1 : index
    %get3A_8 = arith.constant 0 : index
    %get3A_9 = arith.constant 0 : index
    %get3A_10 = vector.load %arg1[%get3A_7, %get3A_8, %get3A_9] : memref<2x128x128xf32, #tpu.memory_space<vmem>>, vector<1x128x128xf32>
    %get3A_11 = vector.shape_cast %get3A_10 : vector<1x128x128xf32> to vector<128x128xf32>
    %add3A = arith.addf %get3A_6, %get3A_11 : vector<128x128xf32>
    %get3A_12 = arith.constant 0 : index
    %get3A_13 = arith.constant 0 : index
    %get3A_14 = vector.load %arg2[%get3A_12, %get3A_13] : memref<128x128xf32, #tpu.memory_space<vmem>>, vector<128x128xf32>
    %add3A_15 = arith.addf %add3A, %get3A_14 : vector<128x128xf32>
    %mul3A = vector.broadcast %get3A_1 : vector<128x1xf32> to vector<128x128xf32>
    %mul3A_16 = arith.mulf %mul3A, %add3A_15 : vector<128x128xf32>
    %get3A_17 = arith.constant 0 : index
    %get3A_18 = arith.constant 0 : index
    %get3A_19 = vector.load %arg4[%get3A_17, %get3A_18] : memref<128x128xf32, #tpu.memory_space<vmem>>, vector<128x128xf32>
    %dot_general3A = arith.constant dense<0.000000e+00> : vector<128x128xf32>
    %dot_general3A_20 = tpu.matmul %mul3A_16, %get3A_19, %dot_general3A {dimension_numbers = #tpu.dot_dimension_numbers<[1], [0], [0], [1], [0, 0, 1, 1], [], []>, transpose_lhs_hint = false} : vector<128x128xf32>, vector<128x128xf32>, vector<128x128xf32> -> vector<128x128xf32>
    %get3A_21 = arith.constant 0 : index
    %get3A_22 = arith.constant 0 : index
    %get3A_23 = vector.load %arg5[%get3A_21, %get3A_22] : memref<1x128xf32, #tpu.memory_space<vmem>>, vector<1x128xf32>
    %add3A_24 = vector.broadcast %get3A_23 : vector<1x128xf32> to vector<128x128xf32>
    %add3A_25 = arith.addf %dot_general3A_20, %add3A_24 : vector<128x128xf32>
    %max3A = arith.constant 0.000000e+00 : f32
    %max3A_26 = vector.broadcast %max3A : f32 to vector<128x128xf32>
    %max3A_27 = arith.maximumf %add3A_25, %max3A_26 : vector<128x128xf32>
    %mul3A_28 = vector.broadcast %get3A_1 : vector<128x1xf32> to vector<128x128xf32>
    %mul3A_29 = arith.mulf %mul3A_28, %max3A_27 : vector<128x128xf32>
    %swap3A = arith.constant 0 : index
    %swap3A_30 = arith.constant 0 : index
    %swap3A_31 = vector.load %arg6[%swap3A, %swap3A_30] : memref<128x128xf32, #tpu.memory_space<vmem>>, vector<128x128xf32>
    tpu.vector_store %arg6[%swap3A, %swap3A_30], %mul3A_29 {strides = array<i32>} : memref<128x128xf32, #tpu.memory_space<vmem>>, vector<128x128xf32>,
    return
  }
  func.func @transform_0(%arg0: i32) -> (i32, i32, i32) {
    %c0_i32 = arith.constant 0 : i32
    %c0_i32_0 = arith.constant 0 : i32
    %c0_i32_1 = arith.constant 0 : i32
    return %c0_i32, %arg0, %c0_i32_0 : i32, i32, i32
  }
  func.func @transform_1(%arg0: i32) -> (i32, i32) {
    %c0_i32 = arith.constant 0 : i32
    %c0_i32_0 = arith.constant 0 : i32
    return %arg0, %c0_i32 : i32, i32
  }
  func.func @transform_2(%arg0: i32) -> (i32, i32) {
    %c0_i32 = arith.constant 0 : i32
    %c0_i32_0 = arith.constant 0 : i32
    return %arg0, %c0_i32 : i32, i32
  }
  func.func @transform_3(%arg0: i32) -> (i32, i32) {
    %c0_i32 = arith.constant 0 : i32
    %c0_i32_0 = arith.constant 0 : i32
    %c0_i32_1 = arith.constant 0 : i32
    return %c0_i32, %c0_i32_0 : i32, i32
  }
  func.func @transform_4(%arg0: i32) -> (i32, i32) {
    %c0_i32 = arith.constant 0 : i32
    %c0_i32_0 = arith.constant 0 : i32
    %c0_i32_1 = arith.constant 0 : i32
    return %c0_i32, %c0_i32_0 : i32, i32
  }
  func.func @transform_5(%arg0: i32) -> (i32, i32) {
    %c0_i32 = arith.constant 0 : i32
    %c0_i32_0 = arith.constant 0 : i32
    return %arg0, %c0_i32 : i32, i32
  }
}

module attributes {stable_mosaic.version = 14 : i64} {
  func.func @_tc3_body(%arg0: i32, %arg1: memref<2x128x128xf32, #tpu.memory_space<vmem>>, %arg2: memref<128x128xf32, #tpu.memory_space<vmem>>, %arg3: memref<128x1xf32, #tpu.memory_space<vmem>>, %arg4: memref<128x128xf32, #tpu.memory_space<vmem>>, %arg5: memref<1x128xf32, #tpu.memory_space<vmem>>, %arg6: memref<128x64xf32, #tpu.memory_space<vmem>>, %arg7: memref<128x64xf32, #tpu.memory_space<vmem>>) attributes {dimension_semantics = [#tpu.dimension_semantics<arbitrary>], iteration_bounds = array<i64: 79>, scalar_prefetch = 0 : i64, scratch_operands = 0 : i64, tpu.core_type = #tpu.core_type<tc>, window_params = [{transform_indices = @transform_0, window_bounds = array<i64: 2, 128, 128>}, {transform_indices = @transform_1, window_bounds = array<i64: 128, 128>}, {transform_indices = @transform_2, window_bounds = array<i64: 128, 1>}, {pipeline_mode = #tpu.pipeline_mode<synchronous>, transform_indices = @transform_3, window_bounds = array<i64: 128, 128>}, {pipeline_mode = #tpu.pipeline_mode<synchronous>, transform_indices = @transform_4, window_bounds = array<i64: 1, 128>}, {transform_indices = @transform_5, window_bounds = array<i64: 128, 64>}, {transform_indices = @transform_6, window_bounds = array<i64: 128, 64>}]} {
    %get3A = arith.constant 0 : index
    %get3A_0 = arith.constant 0 : index
    %get3A_1 = vector.load %arg3[%get3A, %get3A_0] : memref<128x1xf32, #tpu.memory_space<vmem>>, vector<128x1xf32>
    %get3A_2 = arith.constant 0 : index
    %get3A_3 = arith.constant 0 : index
    %get3A_4 = arith.constant 0 : index
    %get3A_5 = vector.load %arg1[%get3A_2, %get3A_3, %get3A_4] : memref<2x128x128xf32, #tpu.memory_space<vmem>>, vector<1x128x128xf32>
    %get3A_6 = vector.shape_cast %get3A_5 : vector<1x128x128xf32> to vector<128x128xf32>
    %get3A_7 = arith.constant 1 : index
    %get3A_8 = arith.constant 0 : index
    %get3A_9 = arith.constant 0 : index
    %get3A_10 = vector.load %arg1[%get3A_7, %get3A_8, %get3A_9] : memref<2x128x128xf32, #tpu.memory_space<vmem>>, vector<1x128x128xf32>
    %get3A_11 = vector.shape_cast %get3A_10 : vector<1x128x128xf32> to vector<128x128xf32>
    %add3A = arith.addf %get3A_6, %get3A_11 : vector<128x128xf32>
    %get3A_12 = arith.constant 0 : index
    %get3A_13 = arith.constant 0 : index
    %get3A_14 = vector.load %arg2[%get3A_12, %get3A_13] : memref<128x128xf32, #tpu.memory_space<vmem>>, vector<128x128xf32>
    %add3A_15 = arith.addf %add3A, %get3A_14 : vector<128x128xf32>
    %mul3A = vector.broadcast %get3A_1 : vector<128x1xf32> to vector<128x128xf32>
    %mul3A_16 = arith.mulf %mul3A, %add3A_15 : vector<128x128xf32>
    %get3A_17 = arith.constant 0 : index
    %get3A_18 = arith.constant 0 : index
    %get3A_19 = vector.load %arg4[%get3A_17, %get3A_18] : memref<128x128xf32, #tpu.memory_space<vmem>>, vector<128x128xf32>
    %dot_general3A = arith.constant dense<0.000000e+00> : vector<128x128xf32>
    %dot_general3A_20 = tpu.matmul %mul3A_16, %get3A_19, %dot_general3A {dimension_numbers = #tpu.dot_dimension_numbers<[1], [0], [0], [1], [0, 0, 1, 1], [], []>, transpose_lhs_hint = false} : vector<128x128xf32>, vector<128x128xf32>, vector<128x128xf32> -> vector<128x128xf32>
    %get3A_21 = arith.constant 0 : index
    %get3A_22 = arith.constant 0 : index
    %get3A_23 = vector.load %arg5[%get3A_21, %get3A_22] : memref<1x128xf32, #tpu.memory_space<vmem>>, vector<1x128xf32>
    %add3A_24 = vector.broadcast %get3A_23 : vector<1x128xf32> to vector<128x128xf32>
    %add3A_25 = arith.addf %dot_general3A_20, %add3A_24 : vector<128x128xf32>
    %slice3A = vector.extract_strided_slice %add3A_25 {offsets = [0, 0], sizes = [128, 64], strides = [1, 1]} : vector<128x128xf32> to vector<128x64xf32>
    %slice3A_26 = vector.extract_strided_slice %add3A_25 {offsets = [0, 64], sizes = [128, 64], strides = [1, 1]} : vector<128x128xf32> to vector<128x64xf32>
    %min3A = arith.constant 1.000000e+01 : f32
    %min3A_27 = vector.broadcast %min3A : f32 to vector<128x64xf32>
    %min3A_28 = arith.minimumf %slice3A_26, %min3A_27 : vector<128x64xf32>
    %get3A_29 = arith.constant 0 : index
    %get3A_30 = arith.constant 0 : index
    %get3A_31 = vector.load %arg6[%get3A_29, %get3A_30] : memref<128x64xf32, #tpu.memory_space<vmem>>, vector<128x64xf32>
    %exp3A = math.exp %min3A_28 : vector<128x64xf32>
    %mul3A_32 = arith.mulf %get3A_31, %exp3A : vector<128x64xf32>
    %add3A_33 = arith.addf %slice3A, %mul3A_32 : vector<128x64xf32>
    %swap3A = arith.constant 0 : index
    %swap3A_34 = arith.constant 0 : index
    %swap3A_35 = vector.load %arg7[%swap3A, %swap3A_34] : memref<128x64xf32, #tpu.memory_space<vmem>>, vector<128x64xf32>
    tpu.vector_store %arg7[%swap3A, %swap3A_34], %add3A_33 {strides = array<i32>} : memref<128x64xf32, #tpu.memory_space<vmem>>, vector<128x64xf32>,
    return
  }
  func.func @transform_0(%arg0: i32) -> (i32, i32, i32) {
    %c0_i32 = arith.constant 0 : i32
    %c0_i32_0 = arith.constant 0 : i32
    %c0_i32_1 = arith.constant 0 : i32
    return %c0_i32, %arg0, %c0_i32_0 : i32, i32, i32
  }
  func.func @transform_1(%arg0: i32) -> (i32, i32) {
    %c0_i32 = arith.constant 0 : i32
    %c0_i32_0 = arith.constant 0 : i32
    return %arg0, %c0_i32 : i32, i32
  }
  func.func @transform_2(%arg0: i32) -> (i32, i32) {
    %c0_i32 = arith.constant 0 : i32
    %c0_i32_0 = arith.constant 0 : i32
    return %arg0, %c0_i32 : i32, i32
  }
  func.func @transform_3(%arg0: i32) -> (i32, i32) {
    %c0_i32 = arith.constant 0 : i32
    %c0_i32_0 = arith.constant 0 : i32
    %c0_i32_1 = arith.constant 0 : i32
    return %c0_i32, %c0_i32_0 : i32, i32
  }
  func.func @transform_4(%arg0: i32) -> (i32, i32) {
    %c0_i32 = arith.constant 0 : i32
    %c0_i32_0 = arith.constant 0 : i32
    %c0_i32_1 = arith.constant 0 : i32
    return %c0_i32, %c0_i32_0 : i32, i32
  }
  func.func @transform_5(%arg0: i32) -> (i32, i32) {
    %c0_i32 = arith.constant 0 : i32
    %c0_i32_0 = arith.constant 0 : i32
    return %arg0, %c0_i32 : i32, i32
  }
  func.func @transform_6(%arg0: i32) -> (i32, i32) {
    %c0_i32 = arith.constant 0 : i32
    %c0_i32_0 = arith.constant 0 : i32
    return %arg0, %c0_i32 : i32, i32
  }
}

</mosaic_0001>

<sc_bundles>
// kernel: kernel.11.cloned.1.call-start
scs
__scs_entry_jumppad:
0x0: {  	(pc) =	sbr.rel $0x88, $3  }
0x1: {  	(tag) =	ssettag $0x0;
	lr =	simm.s32 $0x1  }
0x2: {  	[smem:$0x3F96] =	sst lr;
	_ =	strace $0xD0000000  }
0x3: {  	_ = 	snop  }
0x4: {  	_ = 	snop  }
0x5: {  	_ = 	snop  }
0x6: {  	_ = 	snop  }
0x7: {  	_ = 	snop  }
__scs_overlays_trampoline_lowered:
0x8: {  	[smem:$0x3FA5] =	sst s0  }
0x9: {  	[smem:$0x3FA6] =	sst s1  }
0xa: {  	[smem:$0x3FA7] =	sst s2  }
0xb: {  	[smem:$0x3FA8] =	sst s3  }
0xc: {  	[smem:$0x3FA9] =	sst s4  }
0xd: {  	[smem:$0x3FAA] =	sst s5  }
0xe: {  	[smem:$0x3FAB] =	sst s6  }
0xf: {  	[smem:$0x3FAC] =	sst s7  }
0x10: {  	[smem:$0x3FAD] =	sst s8  }
0x11: {  	[smem:$0x3FAE] =	sst s9;
	s0 =	simm.s32 @!p0 $0x0  }
0x12: {  	s1 =	sld [smem:$0x3F94];
	s0 =	simm.s32 @p0 $0x1  }
0x13: {  	[smem:$0x3FAF] =	sst s0;
	s0 =	simm.s32 @!p1 $0x0  }
0x14: {  	s2 =	sld [smem:$0x3F93];
	s0 =	simm.s32 @p1 $0x1  }
0x15: {  	[smem:$0x3FB0] =	sst s0;
	s0 =	simm.s32 @!p2 $0x0  }
0x16: {  	s3 =	sld [smem:$0x3FDB];
	s0 =	simm.s32 @p2 $0x1  }
0x17: {  	s4 =	simm.s32 $0x1BF5;
	[smem:$0x3FB2] =	sst s0  }
0x18: {  	s0 =	sld [smem:$0x3F95];
	_ =	swait.ge [sflag:s4], $0x0  }
0x19: {  	s7 =	sld [smem:$0x3F96]  }
0x1a: {  	s8 =	sadd.s32 $0xFFFFE003, lr  }
0x1b: {  	s9 =	sadd.s32 $0xFFFFFEF7, lr;
	s5 =	simm.s32 $0xFFFFFFFF;
	p2 =	slt.u32 s8, $0xFFFFF086  }
0x1c: {  	p1 =	slt.u32 s9, $0xF7A;
	s5 =	simm.s32 @!p2 $0x0  }
0x1d: {  	s5 =	simm.s32 @p1 $0x1;
	p0 =	seq.s32 s7, s2  }
0x1e: {  	s7 =	smul.u32 @!p0 $0xF7A, s2;
	p2 =	seq.s32 @!p0 s5, $0x0  }
0x1f: {  	s9 =	smul.u32 $0xF7A, s1;
	s8 =	simm.s32 @!p0 $0x1BF5;
	p2 =	por !p2, p0  }
0x20: {  	[sflag:s8] =	ssyncset.s32 @!p0 $0xFFFFF086;
	s6 =	sadd.s32 @!p0 s3, s7;
	s7 =	simm.s32 @!p0 $0x108  }
0x21: {  	s3 =	sadd.s32 s3, s9;
	s6 =	sadd.s32 @!p0 $0x88, s6;
	s7 =	simm.s32 @p2 $0x1082  }
0x22: {  	[simem:s7], [sflag:s8] =	dma.local @!p0 [hbm:s6], $0xF7A  }
0x23: {  	s9 =	sor.u32 $0xD0000000, s2;
	s6 =	simm.s32 $0x108;
	_ =	swait.ge @!p0 [sflag:s8], $0x0  }
0x24: {  	s3 =	sadd.s32 $0x88, s3;
	s6 =	simm.s32 @!p1 $0x1082;
	[sflag:s4] =	ssyncset.s32 $0xFFFFF086  }
0x25: {  	[simem:s6], [sflag:s4] =	dma.local [hbm:s3], $0xF7A  }
0x26: {  	[smem:$0x3F96] =	sst s1;
	(tag) =	ssettag s2;
	_ =	strace s9  }
0x27: {  	s1 =	sld [smem:$0x3FA6]  }
0x28: {  	s2 =	sld [smem:$0x3FA7]  }
0x29: {  	s4 =	sld [smem:$0x3FA9]  }
0x2a: {  	p0 =	seq.s32 s5, $0x0;
	s5 =	sld [smem:$0x3FAA]  }
0x2b: {  	s6 =	sld [smem:$0x3FAB]  }
0x2c: {  	s7 =	sld [smem:$0x3FAC]  }
0x2d: {  	s3 =	simm.s32 $0x108;
	s8 =	sld [smem:$0x3FAD]  }
0x2e: {  	s3 =	simm.s32 @!p0 $0x1082;
	s9 =	sld [smem:$0x3FAE]  }
0x2f: {  	lr =	sadd.s32 s0, s3;
	s0 =	sld [smem:$0x3FA5]  }
0x30: {  	s3 =	sld [smem:$0x3FA8]  }
0x31: {  	[smem:$0x3FB1] =	sst s10  }
0x32: {  	s10 =	sld [smem:$0x3FAF];
	_ =	sdelay $0x3  }
0x33: {  	p0 =	seq.s32 s10, $0x1;
	s10 =	sld [smem:$0x3FB1];
	_ =	sdelay $0x3  }
0x34: {  	[smem:$0x3FB1] =	sst s10  }
0x35: {  	s10 =	sld [smem:$0x3FB0];
	_ =	sdelay $0x3  }
0x36: {  	p1 =	seq.s32 s10, $0x1;
	s10 =	sld [smem:$0x3FB1];
	_ =	sdelay $0x3  }
0x37: {  	[smem:$0x3FB1] =	sst s10  }
0x38: {  	s10 =	sld [smem:$0x3FB2]  }
0x39: {  	_ = 	snop;
	(pc) =	sbr.ind lr, $3  }
0x3a: {  	_ = 	snop  }
0x3b: {  	_ = 	snop  }
0x3c: {  	p2 =	seq.s32 s10, $0x1;
	s10 =	sld [smem:$0x3FB1]  }
0x3d: {  	_ =	shalt  }
0x3e: {  	_ =	shalt  }
0x3f: {  	_ =	shalt  }
0x40: {  	_ =	shalt  }
0x41: {  	_ =	shalt  }
0x42: {  	_ =	shalt  }
0x43: {  	_ =	shalt  }
0x44: {  	_ =	shalt  }
0x45: {  	_ =	shalt  }
0x46: {  	_ =	shalt  }
0x47: {  	_ =	shalt  }
0x48: {  	_ =	shalt  }
0x49: {  	_ =	shalt  }
0x4a: {  	_ =	shalt  }
0x4b: {  	_ =	shalt  }
0x4c: {  	_ =	shalt  }
0x4d: {  	_ =	shalt  }
0x4e: {  	_ =	shalt  }
0x4f: {  	_ =	shalt  }
0x50: {  	_ =	shalt  }
0x51: {  	_ =	shalt  }
0x52: {  	_ =	shalt  }
0x53: {  	_ =	shalt  }
0x54: {  	_ =	shalt  }
0x55: {  	_ =	shalt  }
0x56: {  	_ =	shalt  }
0x57: {  	_ =	shalt  }
0x58: {  	_ =	shalt  }
0x59: {  	_ =	shalt  }
0x5a: {  	_ =	shalt  }
0x5b: {  	_ =	shalt  }
0x5c: {  	_ =	shalt  }
0x5d: {  	_ =	shalt  }
0x5e: {  	_ =	shalt  }
0x5f: {  	_ =	shalt  }
0x60: {  	_ =	shalt  }
0x61: {  	_ =	shalt  }
0x62: {  	_ =	shalt  }
0x63: {  	_ =	shalt  }
0x64: {  	_ =	shalt  }
0x65: {  	_ =	shalt  }
0x66: {  	_ =	shalt  }
0x67: {  	_ =	shalt  }
0x68: {  	_ =	shalt  }
0x69: {  	_ =	shalt  }
0x6a: {  	_ =	shalt  }
0x6b: {  	_ =	shalt  }
0x6c: {  	_ =	shalt  }
0x6d: {  	_ =	shalt  }
0x6e: {  	_ =	shalt  }
0x6f: {  	_ =	shalt  }
0x70: {  	_ =	shalt  }
0x71: {  	_ =	shalt  }
0x72: {  	_ =	shalt  }
0x73: {  	_ =	shalt  }
0x74: {  	_ =	shalt  }
0x75: {  	_ =	shalt  }
0x76: {  	_ =	shalt  }
0x77: {  	_ =	shalt  }
0x78: {  	_ =	shalt  }
0x79: {  	_ =	shalt  }
0x7a: {  	_ =	shalt  }
0x7b: {  	_ =	shalt  }
0x7c: {  	_ =	shalt  }
0x7d: {  	_ =	shalt  }
0x7e: {  	_ =	shalt  }
0x7f: {  	_ =	shalt  }
0x80: {  	_ =	shalt  }
0x81: {  	_ =	shalt  }
0x82: {  	_ =	shalt  }
0x83: {  	_ =	shalt  }
0x84: {  	_ =	shalt  }
0x85: {  	_ =	shalt  }
0x86: {  	_ =	shalt  }
0x87: {  	_ =	shalt  }
.Lfunc_end0:
.L_simem_size_0:
called_computation.1_lowered:
.L_overlay_start_0:
0x88: {  	s2 =	sld [smem:$0x3FD9]  }
0x89: {  	s3 =	sld [smem:$0x3FFE];
	_ =	sdelay $0x1  }
0x8a: {  	s1 =	srdreg.scid  }
0x8b: {  	s0 =	sand.u32 $0x1, s1  }
0x8c: {  	s17 =	sshll.u32 s0, $0xA;
	s2 =	sadd.s32 s3, s2  }
0x8d: {  	s2 =	sadd.s32 s2, s17  }
0x8e: {  	[smem:$0x3FBD] =	sst s2  }
0x8f: {  	_ = 	snop  }
0x90: {  	s2 =	sld [smem:$0x3FD0];
	(tm) =	ssettm $0x1  }
0x91: {  	s18 =	sld [smem:$0x3FFB];
	_ =	sdelay $0x3  }
0x92: {  	_ =	strace s18  }
0x93: {  	s3 =	sld [smem:$0x3FFC];
	_ =	sdelay $0x3  }
0x94: {  	_ =	strace s3  }
0x95: {  	s3 =	sld [smem:$0x3FFD];
	_ =	sdelay $0x3  }
0x96: {  	_ =	strace s3  }
0x97: {  	_ =	strace $0x8FFFFFFF  }
0x98: {  	s19 =	sld [smem:$0x3FDB];
	_ =	sdelay $0x1  }
0x99: {  	s4 =	simm.s32 $_scs_section_size  }
0x9a: {  	s5 =	simm.s32 $_size__tile_overlayer_lowered;
	s6 =	simm.s32 $_tile_overlayer_lowered  }
0x9b: {  	s22 =	simm.s32 $0x1BFF;
	s21 =	sshll.u32 s6, $0x1;
	s3 =	sadd.s32 s4, s19  }
0x9c: {  	s7 =	simm.s32 $0x0;
	s20 =	sshll.u32 s5, $0x1;
	s5 =	sadd.s32 s21, s3  }
0x9d: {  	[timem:s7], [sflag:s22] =	dma.local [hbm:s5], s20  }
0x9e: {  	_ =	swait.ge [sflag:s22], s20  }
0x9f: {  	s4 =	ssub.s32 $0x0, s20;
	[sflag:s22] =	ssyncset.done $0x0  }
0xa0: {  	[sflag:s22] =	ssyncadd.s32 s4;
	_ =	sdelay $0x1  }
0xa1: {  	s23 =	simm.s32 $0x1B8B  }
0xa2: {  	_ =	swait.ge [sflag:s23], $0x1  }
0xa3: {  	[sflag:s23] =	ssyncset.done $0x0  }
0xa4: {  	s25 =	simm.s32 $0x1B8E;
	s24 =	sld [smem:$0x3FFE];
	[sflag:s23] =	ssyncadd.s32 $0xFFFFFFFF  }
0xa5: {  	s26 =	simm.s32 $execute0_lowered;
	[smem:$0x3FD2] =	sst s25  }
0xa6: {  	s5 =	sshll.u32 s26, $0x1;
	_ =	strace $0x80000049;
	[dreg:$0x1] =	wrdreg $0xFFFFFFFF  }
0xa7: {  	s28 =	simm.s32 $_size_execute0_lowered;
	s3 =	sadd.s32 s3, s5;
	[dreg:$0x0] =	wrdreg $0x0  }
0xa8: {  	s5 =	sshll.u32 s28, $0x1;
	[dreg:$0x2] =	wrdreg s3  }
0xa9: {  	[dreg:$0x3] =	wrdreg s5  }
0xaa: {  	[dreg:$0x4] =	wrdreg $0xC0  }
0xab: {  	_ =	task [dreg:s7], $0x5FFFF  }
0xac: {  	[dreg:$0x1] =	wrdreg $0xFFFFFFFF  }
0xad: {  	[dreg:$0x0] =	wrdreg $0x60  }
0xae: {  	[dreg:$0x2] =	wrdreg s24  }
0xaf: {  	[dreg:$0x3] =	wrdreg s2  }
0xb0: {  	[dreg:$0x4] =	wrdreg $0x0  }
0xb1: {  	[dreg:$0x5] =	wrdreg $0x9  }
0xb2: {  	_ =	task.clear_ibuf [dreg:s7], $0x6FFFF;
	_ =	strace $0x90000049  }
0xb3: {  	s29 =	simm.s32 $0x9;
	_ =	strace $0x8000004B  }
0xb4: {  	_ =	swait.ge [sflag:s29], $0x1  }
0xb5: {  	[sflag:s29] =	ssyncadd.s32 $0xFFFFFFFF  }
0xb6: {  	_ =	strace $0x9000004B  }
0xb7: {  	_ =	sfence  }
0xb8: {  	s30 =	sld [smem:$0x0];
	_ =	sdelay $0x2  }
0xb9: {  	s31 =	sshll.u32 s1, $0xD;
	s1 =	sshrl.u32 s1, $0x2  }
0xba: {  	s3 =	sand.u32 $0x4000, s31;
	s1 =	sadd.s32 s1, s30  }
0xbb: {  	s0 =	sor.u32 s3, s0;
	s1 =	sshll.u32 s1, $0x11  }
0xbc: {  	s0 =	sor.u32 s1, s0  }
0xbd: {  	s0 =	sadd.s32 $0x8F2B, s0  }
0xbe: {  	[sflag:s0] =	ssyncadd.remote.s32 $0x1  }
0xbf: {  	_ =	sfence.sel $0xFFFF  }
0xc0: {  	[dreg:$0x0] =	wrdreg $0xFFFFFFFF;
	(pc) =	sbr.abs _section_cstart, $3  }
0xc1: {  	[dreg:$0x1] =	wrdreg $0xFFFFFFFF  }
0xc2: {  	_ =	task.clear_ibuf [dreg:s7], $0x2FFFF;
	_ =	strace $0x9FFFFFFF  }
0xc3: {  	(tm) =	ssettm $0x7FFFFFFF  }
tec
execute0_lowered:
.L_overlay_start_1:
0x0: {  	(tag) =	ssettag $0x1  }
0x1: {  	s6 =	rddreg [dreg:$0x0]  }
0x2: {  	s10 =	rddreg [dreg:$0x1]  }
0x3: {  	s1 =	rddreg [dreg:$0x2]  }
0x4: {  	s2 =	srdreg.scid;
	s0 =	rddreg [dreg:$0x3]  }
0x5: {  	s3 =	simm.s32 $0x0;
	s16 =	simm.s32 $0x15000;
	s17 =	simm.s32 $0x80  }
0x6: {  	s18 =	simm.s32 $0x16400;
	s19 =	simm.s32 $0x13C80;
	s20 =	simm.s32 $0x1A400  }
0x7: {  	s21 =	simm.s32 $0x1;
	s22 =	simm.s32 $0x2;
	s23 =	simm.s32 $0x16300  }
0x8: {  	s24 =	simm.s32 $0x16380;
	s7 =	sand.u32 $0x1, s2;
	s2 =	stileid.u32  }
0x9: {  	[smem:$0x7FF] =	sst s3;
	s4 =	sadd.s32 $0x17800, s6;
	s8 =	smul.u32 $0x13C000, s7  }
0xa: {  	s11 =	sadd.s32 $0xD800, s6;
	s5 =	sadd.s32 $0x3400, s6;
	s9 =	smul.u32 $0x13C00, s2  }
0xb: {  	_ =	strace $0x8000004A;
	s25 =	sshll.u32 s2, $0x1;
	s12 =	ssub.s32 $0x2, s7  }
0xc: {  	s26 =	smul.u32 $0x4F000, s2;
	s30 =	sshll.u32 s2, $0x6;
	s7 =	sor.u32 s7, s25  }
0xd: {  	s13 =	sshrl.u32 s12, $0x1;
	s25 =	simm.s32 $0x0;
	s8 =	sadd.s32 s9, s8  }
0xe: {  	s7 =	smul.u32 $0x2800, s7;
	s12 =	ssub.s32 s12, s13;
	s28 =	sshrl.u32 s26, $0x2  }
0xf: {  	s8 =	sshrl.u32 s8, $0x3;
	s29 =	sadd.s32 s28, s1;
	s12 =	smax.u32 s12, $0x1  }
0x10: {  	s14 =	sadd.s32 s8, s6;
	s31 =	sshrl.u32 s7, $0x3;
	s6 =	sor.u32 $0x1C03, s30  }
0x11: {  	s13 =	sshrl.u32 s29, $0x3;
	s7 =	sadd.s32 s11, s31;
	s15 =	sadd.s32 $0x280, s31  }
0x12: {  	s8 =	sadd.s32 s10, s31;
	s9 =	sadd.s32 s11, s15;
	s10 =	sadd.s32 s10, s15  }
0x13: {  	s11 =	sadd.s32 $0x3F000, s14;
	s14 =	simm.s32 $0x3;
	s15 =	simm.s32 $0x13C00  }
.LBB2_1:
0x14: {  	[spmem:s13], [sflag:s6] =	dma.local [hbm:s5], $0x2780  }
0x15: {  	_ =	swait.ge [sflag:s14], $0x2780  }
0x16: {  	[sflag:s14] =	ssyncset.done $0x0  }
0x17: {  	[sflag:s14] =	ssyncadd.s32 $0xFFFFD880  }
0x18: {  	[bflag:$0x0] =	sbarrier.arrive $0xFFFF  }
0x19: {  	[tilespmem:s15], [sflag:$0x3] =	stream.linear.gather [hbm4b:s7+s3], $0x1400, $0x38;
	[tilespmem:$0x1E400] =	vst v63  }
0x1a: {  	_ =	swait.ge [sflag:s14], $0x1400  }
0x1b: {  	[sflag:s14] =	ssyncset.done $0x0  }
0x1c: {  	[sflag:s14] =	ssyncadd.s32 $0xFFFFEC00  }
0x1d: {  	[tilespmem:s16], [sflag:$0x3] =	stream.linear.gather [hbm4b:s8+s3], $0x1400, $0x38;
	[tilespmem:$0x1E400] =	vst v63  }
0x1e: {  	_ =	swait.ge [sflag:s14], $0x1400  }
0x1f: {  	[sflag:s14] =	ssyncset.done $0x0  }
0x20: {  	[sflag:s14] =	ssyncadd.s32 $0xFFFFEC00  }
0x21: {  	[tilespmem:s18], [sflag:$0x1] =	stream.indirect.gather [hbm4b:s4+s17], $0x80, s15, s17, $0xb8;
	[tilespmem:$0x1E400] =	vst v63  }
0x22: {  	_ = 	snop  }
0x23: {  	[tilespmem:s20], [sflag:$0x2] =	stream.indirect.gather [hbm4b:s4+s17], $0x80, s19, s17, $0xb8;
	[tilespmem:$0x1E400] =	vst v63  }
0x24: {  	_ =	swait.ge [sflag:s21], $0x4000  }
0x25: {  	[sflag:s21] =	ssyncset.done $0x0  }
0x26: {  	s26 =	simm.s32 $0x15000;
	[sflag:s21] =	ssyncadd.s32 $0xFFFFC000  }
0x27: {  	[spmem:s1] =	stream.indirect.scatter.add.f32 [tilespmem:s18], [sflag:$0x3], $0x80, s26, s17, $0xb8;
	[tilespmem:$0x1E400] =	vst v63  }
0x28: {  	_ =	swait.ge [sflag:s14], $0x4000  }
0x29: {  	[sflag:s14] =	ssyncset.done $0x0  }
0x2a: {  	s30 =	simm.s32 $0x13D00;
	[sflag:s14] =	ssyncadd.s32 $0xFFFFC000  }
0x2b: {  	[tilespmem:s18], [sflag:$0x1] =	stream.indirect.gather [hbm4b:s4+s17], $0x80, s30, s17, $0xb8;
	[tilespmem:$0x1E400] =	vst v63  }
0x2c: {  	_ =	swait.ge [sflag:s22], $0x4000  }
0x2d: {  	[sflag:s22] =	ssyncset.done $0x0  }
0x2e: {  	s31 =	simm.s32 $0x15080;
	[sflag:s22] =	ssyncadd.s32 $0xFFFFC000  }
0x2f: {  	[spmem:s1] =	stream.indirect.scatter.add.f32 [tilespmem:s20], [sflag:$0x3], $0x80, s31, s17, $0xb8;
	[tilespmem:$0x1E400] =	vst v63  }
0x30: {  	_ =	swait.ge [sflag:s14], $0x4000  }
0x31: {  	[sflag:s14] =	ssyncset.done $0x0  }
0x32: {  	s28 =	simm.s32 $0x13D80;
	s26 =	simm.s32 $0x400;
	[sflag:s14] =	ssyncadd.s32 $0xFFFFC000  }
.LBB2_2:
0x33: {  	[tilespmem:s20], [sflag:$0x2] =	stream.indirect.gather [hbm4b:s4+s17], $0x80, s28, s17, $0xb8;
	[tilespmem:$0x1E400] =	vst v63  }
0x34: {  	s28 =	smov.u32 s26  }
0x35: {  	p0 =	sne.s32 s26, $0x4800;
	s26 =	sadd.s32 $0x400, s26;
	_ =	swait.ge [sflag:s21], $0x4000  }
0x36: {  	s28 =	sshra.s32 s28, $0x2;
	[sflag:s21] =	ssyncset.done $0x0  }
0x37: {  	s29 =	sadd.s32 $0x15000, s28;
	[sflag:s21] =	ssyncadd.s32 $0xFFFFC000  }
0x38: {  	[spmem:s1] =	stream.indirect.scatter.add.f32 [tilespmem:s18], [sflag:$0x3], $0x80, s29, s17, $0xb8;
	[tilespmem:$0x1E400] =	vst v63  }
0x39: {  	_ =	swait.ge [sflag:s14], $0x4000  }
0x3a: {  	[sflag:s14] =	ssyncset.done $0x0  }
0x3b: {  	s29 =	sadd.s32 $0x13D00, s28;
	[sflag:s14] =	ssyncadd.s32 $0xFFFFC000  }
0x3c: {  	[tilespmem:s18], [sflag:$0x1] =	stream.indirect.gather [hbm4b:s4+s17], $0x80, s29, s17, $0xb8;
	[tilespmem:$0x1E400] =	vst v63  }
0x3d: {  	_ =	swait.ge [sflag:s22], $0x4000  }
0x3e: {  	[sflag:s22] =	ssyncset.done $0x0  }
.Ltmp0:
0x3f: {  	s29 =	sadd.s32 $0x15080, s28;
	[sflag:s22] =	ssyncadd.s32 $0xFFFFC000;
	(pc) =	sbr.rel @p0 .LBB2_2-.Ltmp0, $4  }
0x40: {  	[spmem:s1] =	stream.indirect.scatter.add.f32 [tilespmem:s20], [sflag:$0x3], $0x80, s29, s17, $0xb8;
	[tilespmem:$0x1E400] =	vst v63  }
0x41: {  	_ =	swait.ge [sflag:s14], $0x4000  }
0x42: {  	[sflag:s14] =	ssyncset.done $0x0  }
0x43: {  	s28 =	sadd.s32 $0x13D80, s28;
	[sflag:s14] =	ssyncadd.s32 $0xFFFFC000  }
0x44: {  	[tilespmem:s20], [sflag:$0x2] =	stream.indirect.gather [hbm4b:s4+s17], $0x80, s28, s17, $0xb8;
	[tilespmem:$0x1E400] =	vst v63  }
0x45: {  	_ =	swait.ge [sflag:s21], $0x4000  }
0x46: {  	[sflag:s21] =	ssyncset.done $0x0  }
0x47: {  	[sflag:s21] =	ssyncadd.s32 $0xFFFFC000  }
0x48: {  	[spmem:s1] =	stream.indirect.scatter.add.f32 [tilespmem:s18], [sflag:$0x3], $0x80, s23, s17, $0xb8;
	[tilespmem:$0x1E400] =	vst v63  }
0x49: {  	_ =	swait.ge [sflag:s14], $0x4000  }
0x4a: {  	[sflag:s14] =	ssyncset.done $0x0  }
0x4b: {  	[sflag:s14] =	ssyncadd.s32 $0xFFFFC000  }
0x4c: {  	_ =	swait.ge [sflag:s22], $0x4000  }
0x4d: {  	[sflag:s22] =	ssyncset.done $0x0  }
0x4e: {  	[sflag:s22] =	ssyncadd.s32 $0xFFFFC000  }
0x4f: {  	[spmem:s1] =	stream.indirect.scatter.add.f32 [tilespmem:s20], [sflag:$0x3], $0x80, s24, s17, $0xb8;
	[tilespmem:$0x1E400] =	vst v63  }
0x50: {  	_ =	swait.ge [sflag:s14], $0x4000  }
0x51: {  	[sflag:s14] =	ssyncset.done $0x0  }
0x52: {  	s26 =	simm.s32 $0x0;
	[sflag:s14] =	ssyncadd.s32 $0xFFFFC000  }
0x53: {  	[tilespmem:s15], [sflag:$0x3] =	stream.linear.gather [hbm4b:s9+s26], $0x1400, $0x38;
	[tilespmem:$0x1E400] =	vst v63  }
0x54: {  	_ =	swait.ge [sflag:s14], $0x1400  }
0x55: {  	[sflag:s14] =	ssyncset.done $0x0  }
0x56: {  	[sflag:s14] =	ssyncadd.s32 $0xFFFFEC00  }
0x57: {  	[tilespmem:s16], [sflag:$0x3] =	stream.linear.gather [hbm4b:s10+s26], $0x1400, $0x38;
	[tilespmem:$0x1E400] =	vst v63  }
0x58: {  	_ =	swait.ge [sflag:s14], $0x1400  }
0x59: {  	[sflag:s14] =	ssyncset.done $0x0  }
0x5a: {  	[sflag:s14] =	ssyncadd.s32 $0xFFFFEC00  }
0x5b: {  	[tilespmem:s18], [sflag:$0x1] =	stream.indirect.gather [hbm4b:s4+s17], $0x80, s15, s17, $0xb8;
	[tilespmem:$0x1E400] =	vst v63  }
0x5c: {  	_ = 	snop  }
0x5d: {  	[tilespmem:s20], [sflag:$0x2] =	stream.indirect.gather [hbm4b:s4+s17], $0x80, s19, s17, $0xb8;
	[tilespmem:$0x1E400] =	vst v63  }
0x5e: {  	_ =	swait.ge [sflag:s21], $0x4000  }
0x5f: {  	[sflag:s21] =	ssyncset.done $0x0  }
0x60: {  	s29 =	simm.s32 $0x15000;
	[sflag:s21] =	ssyncadd.s32 $0xFFFFC000  }
0x61: {  	[spmem:s1] =	stream.indirect.scatter.add.f32 [tilespmem:s18], [sflag:$0x3], $0x80, s29, s17, $0xb8;
	[tilespmem:$0x1E400] =	vst v63  }
0x62: {  	_ =	swait.ge [sflag:s14], $0x4000  }
0x63: {  	[sflag:s14] =	ssyncset.done $0x0  }
0x64: {  	s30 =	simm.s32 $0x13D00;
	[sflag:s14] =	ssyncadd.s32 $0xFFFFC000  }
0x65: {  	[tilespmem:s18], [sflag:$0x1] =	stream.indirect.gather [hbm4b:s4+s17], $0x80, s30, s17, $0xb8;
	[tilespmem:$0x1E400] =	vst v63  }
0x66: {  	_ =	swait.ge [sflag:s22], $0x4000  }
0x67: {  	[sflag:s22] =	ssyncset.done $0x0  }
0x68: {  	s31 =	simm.s32 $0x15080;
	[sflag:s22] =	ssyncadd.s32 $0xFFFFC000  }
0x69: {  	[spmem:s1] =	stream.indirect.scatter.add.f32 [tilespmem:s20], [sflag:$0x3], $0x80, s31, s17, $0xb8;
	[tilespmem:$0x1E400] =	vst v63  }
0x6a: {  	_ =	swait.ge [sflag:s14], $0x4000  }
0x6b: {  	[sflag:s14] =	ssyncset.done $0x0  }
0x6c: {  	s28 =	simm.s32 $0x13D80;
	s26 =	simm.s32 $0x400;
	[sflag:s14] =	ssyncadd.s32 $0xFFFFC000  }
.LBB2_4:
0x6d: {  	[tilespmem:s20], [sflag:$0x2] =	stream.indirect.gather [hbm4b:s4+s17], $0x80, s28, s17, $0xb8;
	[tilespmem:$0x1E400] =	vst v63  }
0x6e: {  	s28 =	smov.u32 s26  }
0x6f: {  	p0 =	sne.s32 s26, $0x4800;
	s26 =	sadd.s32 $0x400, s26;
	_ =	swait.ge [sflag:s21], $0x4000  }
0x70: {  	s28 =	sshra.s32 s28, $0x2;
	[sflag:s21] =	ssyncset.done $0x0  }
0x71: {  	s29 =	sadd.s32 $0x15000, s28;
	[sflag:s21] =	ssyncadd.s32 $0xFFFFC000  }
0x72: {  	[spmem:s1] =	stream.indirect.scatter.add.f32 [tilespmem:s18], [sflag:$0x3], $0x80, s29, s17, $0xb8;
	[tilespmem:$0x1E400] =	vst v63  }
0x73: {  	_ =	swait.ge [sflag:s14], $0x4000  }
0x74: {  	[sflag:s14] =	ssyncset.done $0x0  }
0x75: {  	s29 =	sadd.s32 $0x13D00, s28;
	[sflag:s14] =	ssyncadd.s32 $0xFFFFC000  }
0x76: {  	[tilespmem:s18], [sflag:$0x1] =	stream.indirect.gather [hbm4b:s4+s17], $0x80, s29, s17, $0xb8;
	[tilespmem:$0x1E400] =	vst v63  }
0x77: {  	_ =	swait.ge [sflag:s22], $0x4000  }
0x78: {  	[sflag:s22] =	ssyncset.done $0x0  }
.Ltmp1:
0x79: {  	s29 =	sadd.s32 $0x15080, s28;
	[sflag:s22] =	ssyncadd.s32 $0xFFFFC000;
	(pc) =	sbr.rel @p0 .LBB2_4-.Ltmp1, $4  }
0x7a: {  	[spmem:s1] =	stream.indirect.scatter.add.f32 [tilespmem:s20], [sflag:$0x3], $0x80, s29, s17, $0xb8;
	[tilespmem:$0x1E400] =	vst v63  }
0x7b: {  	_ =	swait.ge [sflag:s14], $0x4000  }
0x7c: {  	[sflag:s14] =	ssyncset.done $0x0  }
0x7d: {  	s28 =	sadd.s32 $0x13D80, s28;
	[sflag:s14] =	ssyncadd.s32 $0xFFFFC000  }
0x7e: {  	[tilespmem:s20], [sflag:$0x2] =	stream.indirect.gather [hbm4b:s4+s17], $0x80, s28, s17, $0xb8;
	[tilespmem:$0x1E400] =	vst v63  }
0x7f: {  	_ =	swait.ge [sflag:s21], $0x4000  }
0x80: {  	[sflag:s21] =	ssyncset.done $0x0  }
0x81: {  	[sflag:s21] =	ssyncadd.s32 $0xFFFFC000  }
0x82: {  	[spmem:s1] =	stream.indirect.scatter.add.f32 [tilespmem:s18], [sflag:$0x3], $0x80, s23, s17, $0xb8;
	[tilespmem:$0x1E400] =	vst v63  }
0x83: {  	_ =	swait.ge [sflag:s14], $0x4000  }
0x84: {  	[sflag:s14] =	ssyncset.done $0x0  }
0x85: {  	[sflag:s14] =	ssyncadd.s32 $0xFFFFC000  }
0x86: {  	_ =	swait.ge [sflag:s22], $0x4000  }
0x87: {  	[sflag:s22] =	ssyncset.done $0x0  }
0x88: {  	[sflag:s22] =	ssyncadd.s32 $0xFFFFC000  }
0x89: {  	[spmem:s1] =	stream.indirect.scatter.add.f32 [tilespmem:s20], [sflag:$0x3], $0x80, s24, s17, $0xb8;
	[tilespmem:$0x1E400] =	vst v63  }
0x8a: {  	_ =	swait.ge [sflag:s14], $0x4000  }
0x8b: {  	s25 =	sadd.s32 $0x1, s25;
	[sflag:s14] =	ssyncset.done $0x0  }
0x8c: {  	p0 =	sne.s32 s25, s12;
	[sflag:s14] =	ssyncadd.s32 $0xFFFFC000  }
.Ltmp2:
0x8d: {  	[bflag:$0x0] =	sbarrier.arrive $0xFFFF;
	(pc) =	sbr.rel @p0 .LBB2_1-.Ltmp2, $4  }
0x8e: {  	[hbm:s11], [sflag:s6] =	dma.local [spmem:s13], $0x2780  }
0x8f: {  	_ =	swait.ge [sflag:s14], $0x2780  }
0x90: {  	[sflag:s14] =	ssyncset.done $0x0  }
0x91: {  	[sflag:s14] =	ssyncadd.s32 $0xFFFFD880  }
0x92: {  	_ =	sfence.sel $0x180000  }
0x93: {  	[bflag:$0x0] =	sbarrier.arrive $0xFFFF  }
0x94: {  	p0 =	sne.s32 s2, $0x0;
	_ =	strace $0x9000004A  }
0x95: {  	s0 =	sadd.s32 @!p0 $0x100000, s0;
	[bflag:$0x2] =	sbarrier.arrive $0xFFFF  }
0x96: {  	[sflag:s0] =	ssyncadd.tile.s32 @!p0 $0x1;
	_ =	shalt  }
.Lfunc_end2:
_tile_overlayer_lowered:
.L_overlay_start_2:
0x97: {  	(tag) =	ssettag $0x2  }
0x98: {  	s0 =	rddreg [dreg:$0x0];
	s2 =	stileid.u32  }
0x99: {  	s1 =	rddreg [dreg:$0x1];
	p0 =	sne.s32 s2, $0x0  }
0x9a: {  	s3 =	rddreg [dreg:$0x2];
	[bflag:$0x3] =	sbarrier.arrive $0xFFFF;
	s2 =	simm.s32 @!p0 $0x1C03  }
0x9b: {  	[timem:s3], [sflag:s2] =	dma.local @!p0 [hbm:s0], s1  }
0x9c: {  	s0 =	simm.s32 @!p0 $0x3  }
0x9d: {  	_ =	swait.ge @!p0 [sflag:s0], s1  }
0x9e: {  	s1 =	ssub.s32 @!p0 $0x0, s1;
	[sflag:s0] =	ssyncset.done @!p0 $0x0  }
0x9f: {  	[sflag:s0] =	ssyncadd.s32 @!p0 s1  }
0xa0: {  	[bflag:$0x3] =	sbarrier.arrive $0xFFFF  }
0xa1: {  	_ =	shalt  }

// kernel: kernel.14.cloned.1.call-start
scs
__scs_entry_jumppad:
0x0: {  	(pc) =	sbr.rel $0x88, $3  }
0x1: {  	(tag) =	ssettag $0x0;
	lr =	simm.s32 $0x1  }
0x2: {  	[smem:$0x3F96] =	sst lr;
	_ =	strace $0xD0000000  }
0x3: {  	_ = 	snop  }
0x4: {  	_ = 	snop  }
0x5: {  	_ = 	snop  }
0x6: {  	_ = 	snop  }
0x7: {  	_ = 	snop  }
__scs_overlays_trampoline_lowered:
0x8: {  	[smem:$0x3FA5] =	sst s0  }
0x9: {  	[smem:$0x3FA6] =	sst s1  }
0xa: {  	[smem:$0x3FA7] =	sst s2  }
0xb: {  	[smem:$0x3FA8] =	sst s3  }
0xc: {  	[smem:$0x3FA9] =	sst s4  }
0xd: {  	[smem:$0x3FAA] =	sst s5  }
0xe: {  	[smem:$0x3FAB] =	sst s6  }
0xf: {  	[smem:$0x3FAC] =	sst s7  }
0x10: {  	[smem:$0x3FAD] =	sst s8  }
0x11: {  	[smem:$0x3FAE] =	sst s9;
	s0 =	simm.s32 @!p0 $0x0  }
0x12: {  	s1 =	sld [smem:$0x3F94];
	s0 =	simm.s32 @p0 $0x1  }
0x13: {  	[smem:$0x3FAF] =	sst s0;
	s0 =	simm.s32 @!p1 $0x0  }
0x14: {  	s2 =	sld [smem:$0x3F93];
	s0 =	simm.s32 @p1 $0x1  }
0x15: {  	[smem:$0x3FB0] =	sst s0;
	s0 =	simm.s32 @!p2 $0x0  }
0x16: {  	s3 =	sld [smem:$0x3FDB];
	s0 =	simm.s32 @p2 $0x1  }
0x17: {  	s4 =	simm.s32 $0x1BF5;
	[smem:$0x3FB2] =	sst s0  }
0x18: {  	s0 =	sld [smem:$0x3F95];
	_ =	swait.ge [sflag:s4], $0x0  }
0x19: {  	s7 =	sld [smem:$0x3F96]  }
0x1a: {  	s8 =	sadd.s32 $0xFFFFE003, lr  }
0x1b: {  	s9 =	sadd.s32 $0xFFFFFEF7, lr;
	s5 =	simm.s32 $0xFFFFFFFF;
	p2 =	slt.u32 s8, $0xFFFFF086  }
0x1c: {  	p1 =	slt.u32 s9, $0xF7A;
	s5 =	simm.s32 @!p2 $0x0  }
0x1d: {  	s5 =	simm.s32 @p1 $0x1;
	p0 =	seq.s32 s7, s2  }
0x1e: {  	s7 =	smul.u32 @!p0 $0xF7A, s2;
	p2 =	seq.s32 @!p0 s5, $0x0  }
0x1f: {  	s9 =	smul.u32 $0xF7A, s1;
	s8 =	simm.s32 @!p0 $0x1BF5;
	p2 =	por !p2, p0  }
0x20: {  	[sflag:s8] =	ssyncset.s32 @!p0 $0xFFFFF086;
	s6 =	sadd.s32 @!p0 s3, s7;
	s7 =	simm.s32 @!p0 $0x108  }
0x21: {  	s3 =	sadd.s32 s3, s9;
	s6 =	sadd.s32 @!p0 $0x88, s6;
	s7 =	simm.s32 @p2 $0x1082  }
0x22: {  	[simem:s7], [sflag:s8] =	dma.local @!p0 [hbm:s6], $0xF7A  }
0x23: {  	s9 =	sor.u32 $0xD0000000, s2;
	s6 =	simm.s32 $0x108;
	_ =	swait.ge @!p0 [sflag:s8], $0x0  }
0x24: {  	s3 =	sadd.s32 $0x88, s3;
	s6 =	simm.s32 @!p1 $0x1082;
	[sflag:s4] =	ssyncset.s32 $0xFFFFF086  }
0x25: {  	[simem:s6], [sflag:s4] =	dma.local [hbm:s3], $0xF7A  }
0x26: {  	[smem:$0x3F96] =	sst s1;
	(tag) =	ssettag s2;
	_ =	strace s9  }
0x27: {  	s1 =	sld [smem:$0x3FA6]  }
0x28: {  	s2 =	sld [smem:$0x3FA7]  }
0x29: {  	s4 =	sld [smem:$0x3FA9]  }
0x2a: {  	p0 =	seq.s32 s5, $0x0;
	s5 =	sld [smem:$0x3FAA]  }
0x2b: {  	s6 =	sld [smem:$0x3FAB]  }
0x2c: {  	s7 =	sld [smem:$0x3FAC]  }
0x2d: {  	s3 =	simm.s32 $0x108;
	s8 =	sld [smem:$0x3FAD]  }
0x2e: {  	s3 =	simm.s32 @!p0 $0x1082;
	s9 =	sld [smem:$0x3FAE]  }
0x2f: {  	lr =	sadd.s32 s0, s3;
	s0 =	sld [smem:$0x3FA5]  }
0x30: {  	s3 =	sld [smem:$0x3FA8]  }
0x31: {  	[smem:$0x3FB1] =	sst s10  }
0x32: {  	s10 =	sld [smem:$0x3FAF];
	_ =	sdelay $0x3  }
0x33: {  	p0 =	seq.s32 s10, $0x1;
	s10 =	sld [smem:$0x3FB1];
	_ =	sdelay $0x3  }
0x34: {  	[smem:$0x3FB1] =	sst s10  }
0x35: {  	s10 =	sld [smem:$0x3FB0];
	_ =	sdelay $0x3  }
0x36: {  	p1 =	seq.s32 s10, $0x1;
	s10 =	sld [smem:$0x3FB1];
	_ =	sdelay $0x3  }
0x37: {  	[smem:$0x3FB1] =	sst s10  }
0x38: {  	s10 =	sld [smem:$0x3FB2]  }
0x39: {  	_ = 	snop;
	(pc) =	sbr.ind lr, $3  }
0x3a: {  	_ = 	snop  }
0x3b: {  	_ = 	snop  }
0x3c: {  	p2 =	seq.s32 s10, $0x1;
	s10 =	sld [smem:$0x3FB1]  }
0x3d: {  	_ =	shalt  }
0x3e: {  	_ =	shalt  }
0x3f: {  	_ =	shalt  }
0x40: {  	_ =	shalt  }
0x41: {  	_ =	shalt  }
0x42: {  	_ =	shalt  }
0x43: {  	_ =	shalt  }
0x44: {  	_ =	shalt  }
0x45: {  	_ =	shalt  }
0x46: {  	_ =	shalt  }
0x47: {  	_ =	shalt  }
0x48: {  	_ =	shalt  }
0x49: {  	_ =	shalt  }
0x4a: {  	_ =	shalt  }
0x4b: {  	_ =	shalt  }
0x4c: {  	_ =	shalt  }
0x4d: {  	_ =	shalt  }
0x4e: {  	_ =	shalt  }
0x4f: {  	_ =	shalt  }
0x50: {  	_ =	shalt  }
0x51: {  	_ =	shalt  }
0x52: {  	_ =	shalt  }
0x53: {  	_ =	shalt  }
0x54: {  	_ =	shalt  }
0x55: {  	_ =	shalt  }
0x56: {  	_ =	shalt  }
0x57: {  	_ =	shalt  }
0x58: {  	_ =	shalt  }
0x59: {  	_ =	shalt  }
0x5a: {  	_ =	shalt  }
0x5b: {  	_ =	shalt  }
0x5c: {  	_ =	shalt  }
0x5d: {  	_ =	shalt  }
0x5e: {  	_ =	shalt  }
0x5f: {  	_ =	shalt  }
0x60: {  	_ =	shalt  }
0x61: {  	_ =	shalt  }
0x62: {  	_ =	shalt  }
0x63: {  	_ =	shalt  }
0x64: {  	_ =	shalt  }
0x65: {  	_ =	shalt  }
0x66: {  	_ =	shalt  }
0x67: {  	_ =	shalt  }
0x68: {  	_ =	shalt  }
0x69: {  	_ =	shalt  }
0x6a: {  	_ =	shalt  }
0x6b: {  	_ =	shalt  }
0x6c: {  	_ =	shalt  }
0x6d: {  	_ =	shalt  }
0x6e: {  	_ =	shalt  }
0x6f: {  	_ =	shalt  }
0x70: {  	_ =	shalt  }
0x71: {  	_ =	shalt  }
0x72: {  	_ =	shalt  }
0x73: {  	_ =	shalt  }
0x74: {  	_ =	shalt  }
0x75: {  	_ =	shalt  }
0x76: {  	_ =	shalt  }
0x77: {  	_ =	shalt  }
0x78: {  	_ =	shalt  }
0x79: {  	_ =	shalt  }
0x7a: {  	_ =	shalt  }
0x7b: {  	_ =	shalt  }
0x7c: {  	_ =	shalt  }
0x7d: {  	_ =	shalt  }
0x7e: {  	_ =	shalt  }
0x7f: {  	_ =	shalt  }
0x80: {  	_ =	shalt  }
0x81: {  	_ =	shalt  }
0x82: {  	_ =	shalt  }
0x83: {  	_ =	shalt  }
0x84: {  	_ =	shalt  }
0x85: {  	_ =	shalt  }
0x86: {  	_ =	shalt  }
0x87: {  	_ =	shalt  }
.Lfunc_end0:
.L_simem_size_0:
called_computation.2_lowered:
.L_overlay_start_0:
0x88: {  	s2 =	sld [smem:$0x3FD9]  }
0x89: {  	s3 =	sld [smem:$0x3FFE];
	_ =	sdelay $0x1  }
0x8a: {  	s1 =	srdreg.scid  }
0x8b: {  	s0 =	sand.u32 $0x1, s1  }
0x8c: {  	s17 =	sshll.u32 s0, $0xA;
	s2 =	sadd.s32 s3, s2  }
0x8d: {  	s2 =	sadd.s32 s2, s17  }
0x8e: {  	[smem:$0x3FBD] =	sst s2  }
0x8f: {  	_ = 	snop  }
0x90: {  	s2 =	sld [smem:$0x3FD0];
	(tm) =	ssettm $0x1  }
0x91: {  	s18 =	sld [smem:$0x3FFB];
	_ =	sdelay $0x3  }
0x92: {  	_ =	strace s18  }
0x93: {  	s3 =	sld [smem:$0x3FFC];
	_ =	sdelay $0x3  }
0x94: {  	_ =	strace s3  }
0x95: {  	s3 =	sld [smem:$0x3FFD];
	_ =	sdelay $0x3  }
0x96: {  	_ =	strace s3  }
0x97: {  	_ =	strace $0x8FFFFFFF  }
0x98: {  	s19 =	sld [smem:$0x3FDB];
	_ =	sdelay $0x1  }
0x99: {  	s4 =	simm.s32 $_scs_section_size  }
0x9a: {  	s5 =	simm.s32 $_size__tile_overlayer_lowered;
	s6 =	simm.s32 $_tile_overlayer_lowered  }
0x9b: {  	s22 =	simm.s32 $0x1BFF;
	s21 =	sshll.u32 s6, $0x1;
	s3 =	sadd.s32 s4, s19  }
0x9c: {  	s7 =	simm.s32 $0x0;
	s20 =	sshll.u32 s5, $0x1;
	s5 =	sadd.s32 s21, s3  }
0x9d: {  	[timem:s7], [sflag:s22] =	dma.local [hbm:s5], s20  }
0x9e: {  	_ =	swait.ge [sflag:s22], s20  }
0x9f: {  	s4 =	ssub.s32 $0x0, s20;
	[sflag:s22] =	ssyncset.done $0x0  }
0xa0: {  	[sflag:s22] =	ssyncadd.s32 s4;
	_ =	sdelay $0x1  }
0xa1: {  	s23 =	simm.s32 $0x1B8B  }
0xa2: {  	_ =	swait.ge [sflag:s23], $0x1  }
0xa3: {  	[sflag:s23] =	ssyncset.done $0x0  }
0xa4: {  	s25 =	simm.s32 $0x1B8E;
	s24 =	sld [smem:$0x3FFE];
	[sflag:s23] =	ssyncadd.s32 $0xFFFFFFFF  }
0xa5: {  	s26 =	simm.s32 $execute0_lowered;
	[smem:$0x3FD2] =	sst s25  }
0xa6: {  	s5 =	sshll.u32 s26, $0x1;
	_ =	strace $0x8000004C;
	[dreg:$0x1] =	wrdreg $0xFFFFFFFF  }
0xa7: {  	s28 =	simm.s32 $_size_execute0_lowered;
	s3 =	sadd.s32 s3, s5;
	[dreg:$0x0] =	wrdreg $0x0  }
0xa8: {  	s5 =	sshll.u32 s28, $0x1;
	[dreg:$0x2] =	wrdreg s3  }
0xa9: {  	[dreg:$0x3] =	wrdreg s5  }
0xaa: {  	[dreg:$0x4] =	wrdreg $0xC0  }
0xab: {  	_ =	task [dreg:s7], $0x5FFFF  }
0xac: {  	[dreg:$0x1] =	wrdreg $0xFFFFFFFF  }
0xad: {  	[dreg:$0x0] =	wrdreg $0x60  }
0xae: {  	[dreg:$0x2] =	wrdreg s24  }
0xaf: {  	[dreg:$0x3] =	wrdreg s2  }
0xb0: {  	[dreg:$0x4] =	wrdreg $0x0  }
0xb1: {  	[dreg:$0x5] =	wrdreg $0x9  }
0xb2: {  	_ =	task.clear_ibuf [dreg:s7], $0x6FFFF;
	_ =	strace $0x9000004C  }
0xb3: {  	s29 =	simm.s32 $0x9;
	_ =	strace $0x8000004E  }
0xb4: {  	_ =	swait.ge [sflag:s29], $0x1  }
0xb5: {  	[sflag:s29] =	ssyncadd.s32 $0xFFFFFFFF  }
0xb6: {  	_ =	strace $0x9000004E  }
0xb7: {  	_ =	sfence  }
0xb8: {  	s30 =	sld [smem:$0x0];
	_ =	sdelay $0x2  }
0xb9: {  	s31 =	sshll.u32 s1, $0xD;
	s1 =	sshrl.u32 s1, $0x2  }
0xba: {  	s3 =	sand.u32 $0x4000, s31;
	s1 =	sadd.s32 s1, s30  }
0xbb: {  	s0 =	sor.u32 s3, s0;
	s1 =	sshll.u32 s1, $0x11  }
0xbc: {  	s0 =	sor.u32 s1, s0  }
0xbd: {  	s0 =	sadd.s32 $0x8F2B, s0  }
0xbe: {  	[sflag:s0] =	ssyncadd.remote.s32 $0x1  }
0xbf: {  	_ =	sfence.sel $0xFFFF  }
0xc0: {  	[dreg:$0x0] =	wrdreg $0xFFFFFFFF;
	(pc) =	sbr.abs _section_cstart, $3  }
0xc1: {  	[dreg:$0x1] =	wrdreg $0xFFFFFFFF  }
0xc2: {  	_ =	task.clear_ibuf [dreg:s7], $0x2FFFF;
	_ =	strace $0x9FFFFFFF  }
0xc3: {  	(tm) =	ssettm $0x7FFFFFFF  }
tec
execute0_lowered:
.L_overlay_start_1:
0x0: {  	(tag) =	ssettag $0x1  }
0x1: {  	s6 =	rddreg [dreg:$0x0]  }
0x2: {  	s10 =	rddreg [dreg:$0x1]  }
0x3: {  	s1 =	rddreg [dreg:$0x2]  }
0x4: {  	s2 =	srdreg.scid;
	s0 =	rddreg [dreg:$0x3]  }
0x5: {  	s3 =	simm.s32 $0x0;
	s16 =	simm.s32 $0x15000;
	s17 =	simm.s32 $0x80  }
0x6: {  	s18 =	simm.s32 $0x16400;
	s19 =	simm.s32 $0x13C80;
	s20 =	simm.s32 $0x1A400  }
0x7: {  	s21 =	simm.s32 $0x1;
	s22 =	simm.s32 $0x2;
	s23 =	simm.s32 $0x16300  }
0x8: {  	s24 =	simm.s32 $0x16380;
	s7 =	sand.u32 $0x1, s2;
	s2 =	stileid.u32  }
0x9: {  	[smem:$0x7FF] =	sst s3;
	s4 =	sadd.s32 $0x17800, s6;
	s8 =	smul.u32 $0x13C000, s7  }
0xa: {  	s11 =	sadd.s32 $0xD800, s6;
	s5 =	sadd.s32 $0x3400, s6;
	s9 =	smul.u32 $0x13C00, s2  }
0xb: {  	_ =	strace $0x8000004D;
	s25 =	sshll.u32 s2, $0x1;
	s12 =	ssub.s32 $0x2, s7  }
0xc: {  	s26 =	smul.u32 $0x4F000, s2;
	s30 =	sshll.u32 s2, $0x6;
	s7 =	sor.u32 s7, s25  }
0xd: {  	s13 =	sshrl.u32 s12, $0x1;
	s25 =	simm.s32 $0x0;
	s8 =	sadd.s32 s9, s8  }
0xe: {  	s7 =	smul.u32 $0x2800, s7;
	s12 =	ssub.s32 s12, s13;
	s28 =	sshrl.u32 s26, $0x2  }
0xf: {  	s8 =	sshrl.u32 s8, $0x3;
	s29 =	sadd.s32 s28, s1;
	s12 =	smax.u32 s12, $0x1  }
0x10: {  	s14 =	sadd.s32 s8, s6;
	s31 =	sshrl.u32 s7, $0x3;
	s6 =	sor.u32 $0x1C03, s30  }
0x11: {  	s13 =	sshrl.u32 s29, $0x3;
	s7 =	sadd.s32 s11, s31;
	s15 =	sadd.s32 $0x280, s31  }
0x12: {  	s8 =	sadd.s32 s10, s31;
	s9 =	sadd.s32 s11, s15;
	s10 =	sadd.s32 s10, s15  }
0x13: {  	s11 =	sadd.s32 $0x3F000, s14;
	s14 =	simm.s32 $0x3;
	s15 =	simm.s32 $0x13C00  }
.LBB2_1:
0x14: {  	[spmem:s13], [sflag:s6] =	dma.local [hbm:s5], $0x2780  }
0x15: {  	_ =	swait.ge [sflag:s14], $0x2780  }
0x16: {  	[sflag:s14] =	ssyncset.done $0x0  }
0x17: {  	[sflag:s14] =	ssyncadd.s32 $0xFFFFD880  }
0x18: {  	[bflag:$0x0] =	sbarrier.arrive $0xFFFF  }
0x19: {  	[tilespmem:s15], [sflag:$0x3] =	stream.linear.gather [hbm4b:s7+s3], $0x1400, $0x38;
	[tilespmem:$0x1E400] =	vst v63  }
0x1a: {  	_ =	swait.ge [sflag:s14], $0x1400  }
0x1b: {  	[sflag:s14] =	ssyncset.done $0x0  }
0x1c: {  	[sflag:s14] =	ssyncadd.s32 $0xFFFFEC00  }
0x1d: {  	[tilespmem:s16], [sflag:$0x3] =	stream.linear.gather [hbm4b:s8+s3], $0x1400, $0x38;
	[tilespmem:$0x1E400] =	vst v63  }
0x1e: {  	_ =	swait.ge [sflag:s14], $0x1400  }
0x1f: {  	[sflag:s14] =	ssyncset.done $0x0  }
0x20: {  	[sflag:s14] =	ssyncadd.s32 $0xFFFFEC00  }
0x21: {  	[tilespmem:s18], [sflag:$0x1] =	stream.indirect.gather [hbm4b:s4+s17], $0x80, s15, s17, $0xb8;
	[tilespmem:$0x1E400] =	vst v63  }
0x22: {  	_ = 	snop  }
0x23: {  	[tilespmem:s20], [sflag:$0x2] =	stream.indirect.gather [hbm4b:s4+s17], $0x80, s19, s17, $0xb8;
	[tilespmem:$0x1E400] =	vst v63  }
0x24: {  	_ =	swait.ge [sflag:s21], $0x4000  }
0x25: {  	[sflag:s21] =	ssyncset.done $0x0  }
0x26: {  	s26 =	simm.s32 $0x15000;
	[sflag:s21] =	ssyncadd.s32 $0xFFFFC000  }
0x27: {  	[spmem:s1] =	stream.indirect.scatter.add.f32 [tilespmem:s18], [sflag:$0x3], $0x80, s26, s17, $0xb8;
	[tilespmem:$0x1E400] =	vst v63  }
0x28: {  	_ =	swait.ge [sflag:s14], $0x4000  }
0x29: {  	[sflag:s14] =	ssyncset.done $0x0  }
0x2a: {  	s30 =	simm.s32 $0x13D00;
	[sflag:s14] =	ssyncadd.s32 $0xFFFFC000  }
0x2b: {  	[tilespmem:s18], [sflag:$0x1] =	stream.indirect.gather [hbm4b:s4+s17], $0x80, s30, s17, $0xb8;
	[tilespmem:$0x1E400] =	vst v63  }
0x2c: {  	_ =	swait.ge [sflag:s22], $0x4000  }
0x2d: {  	[sflag:s22] =	ssyncset.done $0x0  }
0x2e: {  	s31 =	simm.s32 $0x15080;
	[sflag:s22] =	ssyncadd.s32 $0xFFFFC000  }
0x2f: {  	[spmem:s1] =	stream.indirect.scatter.add.f32 [tilespmem:s20], [sflag:$0x3], $0x80, s31, s17, $0xb8;
	[tilespmem:$0x1E400] =	vst v63  }
0x30: {  	_ =	swait.ge [sflag:s14], $0x4000  }
0x31: {  	[sflag:s14] =	ssyncset.done $0x0  }
0x32: {  	s28 =	simm.s32 $0x13D80;
	s26 =	simm.s32 $0x400;
	[sflag:s14] =	ssyncadd.s32 $0xFFFFC000  }
.LBB2_2:
0x33: {  	[tilespmem:s20], [sflag:$0x2] =	stream.indirect.gather [hbm4b:s4+s17], $0x80, s28, s17, $0xb8;
	[tilespmem:$0x1E400] =	vst v63  }
0x34: {  	s28 =	smov.u32 s26  }
0x35: {  	p0 =	sne.s32 s26, $0x4800;
	s26 =	sadd.s32 $0x400, s26;
	_ =	swait.ge [sflag:s21], $0x4000  }
0x36: {  	s28 =	sshra.s32 s28, $0x2;
	[sflag:s21] =	ssyncset.done $0x0  }
0x37: {  	s29 =	sadd.s32 $0x15000, s28;
	[sflag:s21] =	ssyncadd.s32 $0xFFFFC000  }
0x38: {  	[spmem:s1] =	stream.indirect.scatter.add.f32 [tilespmem:s18], [sflag:$0x3], $0x80, s29, s17, $0xb8;
	[tilespmem:$0x1E400] =	vst v63  }
0x39: {  	_ =	swait.ge [sflag:s14], $0x4000  }
0x3a: {  	[sflag:s14] =	ssyncset.done $0x0  }
0x3b: {  	s29 =	sadd.s32 $0x13D00, s28;
	[sflag:s14] =	ssyncadd.s32 $0xFFFFC000  }
0x3c: {  	[tilespmem:s18], [sflag:$0x1] =	stream.indirect.gather [hbm4b:s4+s17], $0x80, s29, s17, $0xb8;
	[tilespmem:$0x1E400] =	vst v63  }
0x3d: {  	_ =	swait.ge [sflag:s22], $0x4000  }
0x3e: {  	[sflag:s22] =	ssyncset.done $0x0  }
.Ltmp0:
0x3f: {  	s29 =	sadd.s32 $0x15080, s28;
	[sflag:s22] =	ssyncadd.s32 $0xFFFFC000;
	(pc) =	sbr.rel @p0 .LBB2_2-.Ltmp0, $4  }
0x40: {  	[spmem:s1] =	stream.indirect.scatter.add.f32 [tilespmem:s20], [sflag:$0x3], $0x80, s29, s17, $0xb8;
	[tilespmem:$0x1E400] =	vst v63  }
0x41: {  	_ =	swait.ge [sflag:s14], $0x4000  }
0x42: {  	[sflag:s14] =	ssyncset.done $0x0  }
0x43: {  	s28 =	sadd.s32 $0x13D80, s28;
	[sflag:s14] =	ssyncadd.s32 $0xFFFFC000  }
0x44: {  	[tilespmem:s20], [sflag:$0x2] =	stream.indirect.gather [hbm4b:s4+s17], $0x80, s28, s17, $0xb8;
	[tilespmem:$0x1E400] =	vst v63  }
0x45: {  	_ =	swait.ge [sflag:s21], $0x4000  }
0x46: {  	[sflag:s21] =	ssyncset.done $0x0  }
0x47: {  	[sflag:s21] =	ssyncadd.s32 $0xFFFFC000  }
0x48: {  	[spmem:s1] =	stream.indirect.scatter.add.f32 [tilespmem:s18], [sflag:$0x3], $0x80, s23, s17, $0xb8;
	[tilespmem:$0x1E400] =	vst v63  }
0x49: {  	_ =	swait.ge [sflag:s14], $0x4000  }
0x4a: {  	[sflag:s14] =	ssyncset.done $0x0  }
0x4b: {  	[sflag:s14] =	ssyncadd.s32 $0xFFFFC000  }
0x4c: {  	_ =	swait.ge [sflag:s22], $0x4000  }
0x4d: {  	[sflag:s22] =	ssyncset.done $0x0  }
0x4e: {  	[sflag:s22] =	ssyncadd.s32 $0xFFFFC000  }
0x4f: {  	[spmem:s1] =	stream.indirect.scatter.add.f32 [tilespmem:s20], [sflag:$0x3], $0x80, s24, s17, $0xb8;
	[tilespmem:$0x1E400] =	vst v63  }
0x50: {  	_ =	swait.ge [sflag:s14], $0x4000  }
0x51: {  	[sflag:s14] =	ssyncset.done $0x0  }
0x52: {  	s26 =	simm.s32 $0x0;
	[sflag:s14] =	ssyncadd.s32 $0xFFFFC000  }
0x53: {  	[tilespmem:s15], [sflag:$0x3] =	stream.linear.gather [hbm4b:s9+s26], $0x1400, $0x38;
	[tilespmem:$0x1E400] =	vst v63  }
0x54: {  	_ =	swait.ge [sflag:s14], $0x1400  }
0x55: {  	[sflag:s14] =	ssyncset.done $0x0  }
0x56: {  	[sflag:s14] =	ssyncadd.s32 $0xFFFFEC00  }
0x57: {  	[tilespmem:s16], [sflag:$0x3] =	stream.linear.gather [hbm4b:s10+s26], $0x1400, $0x38;
	[tilespmem:$0x1E400] =	vst v63  }
0x58: {  	_ =	swait.ge [sflag:s14], $0x1400  }
0x59: {  	[sflag:s14] =	ssyncset.done $0x0  }
0x5a: {  	[sflag:s14] =	ssyncadd.s32 $0xFFFFEC00  }
0x5b: {  	[tilespmem:s18], [sflag:$0x1] =	stream.indirect.gather [hbm4b:s4+s17], $0x80, s15, s17, $0xb8;
	[tilespmem:$0x1E400] =	vst v63  }
0x5c: {  	_ = 	snop  }
0x5d: {  	[tilespmem:s20], [sflag:$0x2] =	stream.indirect.gather [hbm4b:s4+s17], $0x80, s19, s17, $0xb8;
	[tilespmem:$0x1E400] =	vst v63  }
0x5e: {  	_ =	swait.ge [sflag:s21], $0x4000  }
0x5f: {  	[sflag:s21] =	ssyncset.done $0x0  }
0x60: {  	s29 =	simm.s32 $0x15000;
	[sflag:s21] =	ssyncadd.s32 $0xFFFFC000  }
0x61: {  	[spmem:s1] =	stream.indirect.scatter.add.f32 [tilespmem:s18], [sflag:$0x3], $0x80, s29, s17, $0xb8;
	[tilespmem:$0x1E400] =	vst v63  }
0x62: {  	_ =	swait.ge [sflag:s14], $0x4000  }
0x63: {  	[sflag:s14] =	ssyncset.done $0x0  }
0x64: {  	s30 =	simm.s32 $0x13D00;
	[sflag:s14] =	ssyncadd.s32 $0xFFFFC000  }
0x65: {  	[tilespmem:s18], [sflag:$0x1] =	stream.indirect.gather [hbm4b:s4+s17], $0x80, s30, s17, $0xb8;
	[tilespmem:$0x1E400] =	vst v63  }
0x66: {  	_ =	swait.ge [sflag:s22], $0x4000  }
0x67: {  	[sflag:s22] =	ssyncset.done $0x0  }
0x68: {  	s31 =	simm.s32 $0x15080;
	[sflag:s22] =	ssyncadd.s32 $0xFFFFC000  }
0x69: {  	[spmem:s1] =	stream.indirect.scatter.add.f32 [tilespmem:s20], [sflag:$0x3], $0x80, s31, s17, $0xb8;
	[tilespmem:$0x1E400] =	vst v63  }
0x6a: {  	_ =	swait.ge [sflag:s14], $0x4000  }
0x6b: {  	[sflag:s14] =	ssyncset.done $0x0  }
0x6c: {  	s28 =	simm.s32 $0x13D80;
	s26 =	simm.s32 $0x400;
	[sflag:s14] =	ssyncadd.s32 $0xFFFFC000  }
.LBB2_4:
0x6d: {  	[tilespmem:s20], [sflag:$0x2] =	stream.indirect.gather [hbm4b:s4+s17], $0x80, s28, s17, $0xb8;
	[tilespmem:$0x1E400] =	vst v63  }
0x6e: {  	s28 =	smov.u32 s26  }
0x6f: {  	p0 =	sne.s32 s26, $0x4800;
	s26 =	sadd.s32 $0x400, s26;
	_ =	swait.ge [sflag:s21], $0x4000  }
0x70: {  	s28 =	sshra.s32 s28, $0x2;
	[sflag:s21] =	ssyncset.done $0x0  }
0x71: {  	s29 =	sadd.s32 $0x15000, s28;
	[sflag:s21] =	ssyncadd.s32 $0xFFFFC000  }
0x72: {  	[spmem:s1] =	stream.indirect.scatter.add.f32 [tilespmem:s18], [sflag:$0x3], $0x80, s29, s17, $0xb8;
	[tilespmem:$0x1E400] =	vst v63  }
0x73: {  	_ =	swait.ge [sflag:s14], $0x4000  }
0x74: {  	[sflag:s14] =	ssyncset.done $0x0  }
0x75: {  	s29 =	sadd.s32 $0x13D00, s28;
	[sflag:s14] =	ssyncadd.s32 $0xFFFFC000  }
0x76: {  	[tilespmem:s18], [sflag:$0x1] =	stream.indirect.gather [hbm4b:s4+s17], $0x80, s29, s17, $0xb8;
	[tilespmem:$0x1E400] =	vst v63  }
0x77: {  	_ =	swait.ge [sflag:s22], $0x4000  }
0x78: {  	[sflag:s22] =	ssyncset.done $0x0  }
.Ltmp1:
0x79: {  	s29 =	sadd.s32 $0x15080, s28;
	[sflag:s22] =	ssyncadd.s32 $0xFFFFC000;
	(pc) =	sbr.rel @p0 .LBB2_4-.Ltmp1, $4  }
0x7a: {  	[spmem:s1] =	stream.indirect.scatter.add.f32 [tilespmem:s20], [sflag:$0x3], $0x80, s29, s17, $0xb8;
	[tilespmem:$0x1E400] =	vst v63  }
0x7b: {  	_ =	swait.ge [sflag:s14], $0x4000  }
0x7c: {  	[sflag:s14] =	ssyncset.done $0x0  }
0x7d: {  	s28 =	sadd.s32 $0x13D80, s28;
	[sflag:s14] =	ssyncadd.s32 $0xFFFFC000  }
0x7e: {  	[tilespmem:s20], [sflag:$0x2] =	stream.indirect.gather [hbm4b:s4+s17], $0x80, s28, s17, $0xb8;
	[tilespmem:$0x1E400] =	vst v63  }
0x7f: {  	_ =	swait.ge [sflag:s21], $0x4000  }
0x80: {  	[sflag:s21] =	ssyncset.done $0x0  }
0x81: {  	[sflag:s21] =	ssyncadd.s32 $0xFFFFC000  }
0x82: {  	[spmem:s1] =	stream.indirect.scatter.add.f32 [tilespmem:s18], [sflag:$0x3], $0x80, s23, s17, $0xb8;
	[tilespmem:$0x1E400] =	vst v63  }
0x83: {  	_ =	swait.ge [sflag:s14], $0x4000  }
0x84: {  	[sflag:s14] =	ssyncset.done $0x0  }
0x85: {  	[sflag:s14] =	ssyncadd.s32 $0xFFFFC000  }
0x86: {  	_ =	swait.ge [sflag:s22], $0x4000  }
0x87: {  	[sflag:s22] =	ssyncset.done $0x0  }
0x88: {  	[sflag:s22] =	ssyncadd.s32 $0xFFFFC000  }
0x89: {  	[spmem:s1] =	stream.indirect.scatter.add.f32 [tilespmem:s20], [sflag:$0x3], $0x80, s24, s17, $0xb8;
	[tilespmem:$0x1E400] =	vst v63  }
0x8a: {  	_ =	swait.ge [sflag:s14], $0x4000  }
0x8b: {  	s25 =	sadd.s32 $0x1, s25;
	[sflag:s14] =	ssyncset.done $0x0  }
0x8c: {  	p0 =	sne.s32 s25, s12;
	[sflag:s14] =	ssyncadd.s32 $0xFFFFC000  }
.Ltmp2:
0x8d: {  	[bflag:$0x0] =	sbarrier.arrive $0xFFFF;
	(pc) =	sbr.rel @p0 .LBB2_1-.Ltmp2, $4  }
0x8e: {  	[hbm:s11], [sflag:s6] =	dma.local [spmem:s13], $0x2780  }
0x8f: {  	_ =	swait.ge [sflag:s14], $0x2780  }
0x90: {  	[sflag:s14] =	ssyncset.done $0x0  }
0x91: {  	[sflag:s14] =	ssyncadd.s32 $0xFFFFD880  }
0x92: {  	_ =	sfence.sel $0x180000  }
0x93: {  	[bflag:$0x0] =	sbarrier.arrive $0xFFFF  }
0x94: {  	p0 =	sne.s32 s2, $0x0;
	_ =	strace $0x9000004D  }
0x95: {  	s0 =	sadd.s32 @!p0 $0x100000, s0;
	[bflag:$0x2] =	sbarrier.arrive $0xFFFF  }
0x96: {  	[sflag:s0] =	ssyncadd.tile.s32 @!p0 $0x1;
	_ =	shalt  }
.Lfunc_end2:
_tile_overlayer_lowered:
.L_overlay_start_2:
0x97: {  	(tag) =	ssettag $0x2  }
0x98: {  	s0 =	rddreg [dreg:$0x0];
	s2 =	stileid.u32  }
0x99: {  	s1 =	rddreg [dreg:$0x1];
	p0 =	sne.s32 s2, $0x0  }
0x9a: {  	s3 =	rddreg [dreg:$0x2];
	[bflag:$0x3] =	sbarrier.arrive $0xFFFF;
	s2 =	simm.s32 @!p0 $0x1C03  }
0x9b: {  	[timem:s3], [sflag:s2] =	dma.local @!p0 [hbm:s0], s1  }
0x9c: {  	s0 =	simm.s32 @!p0 $0x3  }
0x9d: {  	_ =	swait.ge @!p0 [sflag:s0], s1  }
0x9e: {  	s1 =	ssub.s32 @!p0 $0x0, s1;
	[sflag:s0] =	ssyncset.done @!p0 $0x0  }
0x9f: {  	[sflag:s0] =	ssyncadd.s32 @!p0 s1  }
0xa0: {  	[bflag:$0x3] =	sbarrier.arrive $0xFFFF  }
0xa1: {  	_ =	shalt  }

// kernel: kernel.8.cloned.1.call-start
scs
__scs_entry_jumppad:
0x0: {  	(pc) =	sbr.rel $0x88, $3  }
0x1: {  	(tag) =	ssettag $0x0;
	lr =	simm.s32 $0x1  }
0x2: {  	[smem:$0x3F96] =	sst lr;
	_ =	strace $0xD0000000  }
0x3: {  	_ = 	snop  }
0x4: {  	_ = 	snop  }
0x5: {  	_ = 	snop  }
0x6: {  	_ = 	snop  }
0x7: {  	_ = 	snop  }
__scs_overlays_trampoline_lowered:
0x8: {  	[smem:$0x3FA5] =	sst s0  }
0x9: {  	[smem:$0x3FA6] =	sst s1  }
0xa: {  	[smem:$0x3FA7] =	sst s2  }
0xb: {  	[smem:$0x3FA8] =	sst s3  }
0xc: {  	[smem:$0x3FA9] =	sst s4  }
0xd: {  	[smem:$0x3FAA] =	sst s5  }
0xe: {  	[smem:$0x3FAB] =	sst s6  }
0xf: {  	[smem:$0x3FAC] =	sst s7  }
0x10: {  	[smem:$0x3FAD] =	sst s8  }
0x11: {  	[smem:$0x3FAE] =	sst s9;
	s0 =	simm.s32 @!p0 $0x0  }
0x12: {  	s1 =	sld [smem:$0x3F94];
	s0 =	simm.s32 @p0 $0x1  }
0x13: {  	[smem:$0x3FAF] =	sst s0;
	s0 =	simm.s32 @!p1 $0x0  }
0x14: {  	s2 =	sld [smem:$0x3F93];
	s0 =	simm.s32 @p1 $0x1  }
0x15: {  	[smem:$0x3FB0] =	sst s0;
	s0 =	simm.s32 @!p2 $0x0  }
0x16: {  	s3 =	sld [smem:$0x3FDB];
	s0 =	simm.s32 @p2 $0x1  }
0x17: {  	s4 =	simm.s32 $0x1BF5;
	[smem:$0x3FB2] =	sst s0  }
0x18: {  	s0 =	sld [smem:$0x3F95];
	_ =	swait.ge [sflag:s4], $0x0  }
0x19: {  	s7 =	sld [smem:$0x3F96]  }
0x1a: {  	s8 =	sadd.s32 $0xFFFFE003, lr  }
0x1b: {  	s9 =	sadd.s32 $0xFFFFFEF7, lr;
	s5 =	simm.s32 $0xFFFFFFFF;
	p2 =	slt.u32 s8, $0xFFFFF086  }
0x1c: {  	p1 =	slt.u32 s9, $0xF7A;
	s5 =	simm.s32 @!p2 $0x0  }
0x1d: {  	s5 =	simm.s32 @p1 $0x1;
	p0 =	seq.s32 s7, s2  }
0x1e: {  	s7 =	smul.u32 @!p0 $0xF7A, s2;
	p2 =	seq.s32 @!p0 s5, $0x0  }
0x1f: {  	s9 =	smul.u32 $0xF7A, s1;
	s8 =	simm.s32 @!p0 $0x1BF5;
	p2 =	por !p2, p0  }
0x20: {  	[sflag:s8] =	ssyncset.s32 @!p0 $0xFFFFF086;
	s6 =	sadd.s32 @!p0 s3, s7;
	s7 =	simm.s32 @!p0 $0x108  }
0x21: {  	s3 =	sadd.s32 s3, s9;
	s6 =	sadd.s32 @!p0 $0x88, s6;
	s7 =	simm.s32 @p2 $0x1082  }
0x22: {  	[simem:s7], [sflag:s8] =	dma.local @!p0 [hbm:s6], $0xF7A  }
0x23: {  	s9 =	sor.u32 $0xD0000000, s2;
	s6 =	simm.s32 $0x108;
	_ =	swait.ge @!p0 [sflag:s8], $0x0  }
0x24: {  	s3 =	sadd.s32 $0x88, s3;
	s6 =	simm.s32 @!p1 $0x1082;
	[sflag:s4] =	ssyncset.s32 $0xFFFFF086  }
0x25: {  	[simem:s6], [sflag:s4] =	dma.local [hbm:s3], $0xF7A  }
0x26: {  	[smem:$0x3F96] =	sst s1;
	(tag) =	ssettag s2;
	_ =	strace s9  }
0x27: {  	s1 =	sld [smem:$0x3FA6]  }
0x28: {  	s2 =	sld [smem:$0x3FA7]  }
0x29: {  	s4 =	sld [smem:$0x3FA9]  }
0x2a: {  	p0 =	seq.s32 s5, $0x0;
	s5 =	sld [smem:$0x3FAA]  }
0x2b: {  	s6 =	sld [smem:$0x3FAB]  }
0x2c: {  	s7 =	sld [smem:$0x3FAC]  }
0x2d: {  	s3 =	simm.s32 $0x108;
	s8 =	sld [smem:$0x3FAD]  }
0x2e: {  	s3 =	simm.s32 @!p0 $0x1082;
	s9 =	sld [smem:$0x3FAE]  }
0x2f: {  	lr =	sadd.s32 s0, s3;
	s0 =	sld [smem:$0x3FA5]  }
0x30: {  	s3 =	sld [smem:$0x3FA8]  }
0x31: {  	[smem:$0x3FB1] =	sst s10  }
0x32: {  	s10 =	sld [smem:$0x3FAF];
	_ =	sdelay $0x3  }
0x33: {  	p0 =	seq.s32 s10, $0x1;
	s10 =	sld [smem:$0x3FB1];
	_ =	sdelay $0x3  }
0x34: {  	[smem:$0x3FB1] =	sst s10  }
0x35: {  	s10 =	sld [smem:$0x3FB0];
	_ =	sdelay $0x3  }
0x36: {  	p1 =	seq.s32 s10, $0x1;
	s10 =	sld [smem:$0x3FB1];
	_ =	sdelay $0x3  }
0x37: {  	[smem:$0x3FB1] =	sst s10  }
0x38: {  	s10 =	sld [smem:$0x3FB2]  }
0x39: {  	_ = 	snop;
	(pc) =	sbr.ind lr, $3  }
0x3a: {  	_ = 	snop  }
0x3b: {  	_ = 	snop  }
0x3c: {  	p2 =	seq.s32 s10, $0x1;
	s10 =	sld [smem:$0x3FB1]  }
0x3d: {  	_ =	shalt  }
0x3e: {  	_ =	shalt  }
0x3f: {  	_ =	shalt  }
0x40: {  	_ =	shalt  }
0x41: {  	_ =	shalt  }
0x42: {  	_ =	shalt  }
0x43: {  	_ =	shalt  }
0x44: {  	_ =	shalt  }
0x45: {  	_ =	shalt  }
0x46: {  	_ =	shalt  }
0x47: {  	_ =	shalt  }
0x48: {  	_ =	shalt  }
0x49: {  	_ =	shalt  }
0x4a: {  	_ =	shalt  }
0x4b: {  	_ =	shalt  }
0x4c: {  	_ =	shalt  }
0x4d: {  	_ =	shalt  }
0x4e: {  	_ =	shalt  }
0x4f: {  	_ =	shalt  }
0x50: {  	_ =	shalt  }
0x51: {  	_ =	shalt  }
0x52: {  	_ =	shalt  }
0x53: {  	_ =	shalt  }
0x54: {  	_ =	shalt  }
0x55: {  	_ =	shalt  }
0x56: {  	_ =	shalt  }
0x57: {  	_ =	shalt  }
0x58: {  	_ =	shalt  }
0x59: {  	_ =	shalt  }
0x5a: {  	_ =	shalt  }
0x5b: {  	_ =	shalt  }
0x5c: {  	_ =	shalt  }
0x5d: {  	_ =	shalt  }
0x5e: {  	_ =	shalt  }
0x5f: {  	_ =	shalt  }
0x60: {  	_ =	shalt  }
0x61: {  	_ =	shalt  }
0x62: {  	_ =	shalt  }
0x63: {  	_ =	shalt  }
0x64: {  	_ =	shalt  }
0x65: {  	_ =	shalt  }
0x66: {  	_ =	shalt  }
0x67: {  	_ =	shalt  }
0x68: {  	_ =	shalt  }
0x69: {  	_ =	shalt  }
0x6a: {  	_ =	shalt  }
0x6b: {  	_ =	shalt  }
0x6c: {  	_ =	shalt  }
0x6d: {  	_ =	shalt  }
0x6e: {  	_ =	shalt  }
0x6f: {  	_ =	shalt  }
0x70: {  	_ =	shalt  }
0x71: {  	_ =	shalt  }
0x72: {  	_ =	shalt  }
0x73: {  	_ =	shalt  }
0x74: {  	_ =	shalt  }
0x75: {  	_ =	shalt  }
0x76: {  	_ =	shalt  }
0x77: {  	_ =	shalt  }
0x78: {  	_ =	shalt  }
0x79: {  	_ =	shalt  }
0x7a: {  	_ =	shalt  }
0x7b: {  	_ =	shalt  }
0x7c: {  	_ =	shalt  }
0x7d: {  	_ =	shalt  }
0x7e: {  	_ =	shalt  }
0x7f: {  	_ =	shalt  }
0x80: {  	_ =	shalt  }
0x81: {  	_ =	shalt  }
0x82: {  	_ =	shalt  }
0x83: {  	_ =	shalt  }
0x84: {  	_ =	shalt  }
0x85: {  	_ =	shalt  }
0x86: {  	_ =	shalt  }
0x87: {  	_ =	shalt  }
.Lfunc_end0:
.L_simem_size_0:
called_computation_lowered:
.L_overlay_start_0:
0x88: {  	s2 =	sld [smem:$0x3FD9]  }
0x89: {  	s3 =	sld [smem:$0x3FFE];
	_ =	sdelay $0x1  }
0x8a: {  	s1 =	srdreg.scid  }
0x8b: {  	s0 =	sand.u32 $0x1, s1  }
0x8c: {  	s17 =	sshll.u32 s0, $0xA;
	s2 =	sadd.s32 s3, s2  }
0x8d: {  	s2 =	sadd.s32 s2, s17  }
0x8e: {  	[smem:$0x3FBD] =	sst s2  }
0x8f: {  	_ = 	snop  }
0x90: {  	s2 =	sld [smem:$0x3FD0];
	(tm) =	ssettm $0x1  }
0x91: {  	s18 =	sld [smem:$0x3FFB];
	_ =	sdelay $0x3  }
0x92: {  	_ =	strace s18  }
0x93: {  	s3 =	sld [smem:$0x3FFC];
	_ =	sdelay $0x3  }
0x94: {  	_ =	strace s3  }
0x95: {  	s3 =	sld [smem:$0x3FFD];
	_ =	sdelay $0x3  }
0x96: {  	_ =	strace s3  }
0x97: {  	_ =	strace $0x8FFFFFFF  }
0x98: {  	s19 =	sld [smem:$0x3FDB];
	_ =	sdelay $0x1  }
0x99: {  	s4 =	simm.s32 $_scs_section_size  }
0x9a: {  	s5 =	simm.s32 $_size__tile_overlayer_lowered;
	s6 =	simm.s32 $_tile_overlayer_lowered  }
0x9b: {  	s22 =	simm.s32 $0x1BFF;
	s21 =	sshll.u32 s6, $0x1;
	s3 =	sadd.s32 s4, s19  }
0x9c: {  	s7 =	simm.s32 $0x0;
	s20 =	sshll.u32 s5, $0x1;
	s5 =	sadd.s32 s21, s3  }
0x9d: {  	[timem:s7], [sflag:s22] =	dma.local [hbm:s5], s20  }
0x9e: {  	_ =	swait.ge [sflag:s22], s20  }
0x9f: {  	s4 =	ssub.s32 $0x0, s20;
	[sflag:s22] =	ssyncset.done $0x0  }
0xa0: {  	[sflag:s22] =	ssyncadd.s32 s4;
	_ =	sdelay $0x1  }
0xa1: {  	s23 =	simm.s32 $0x1B8B  }
0xa2: {  	_ =	swait.ge [sflag:s23], $0x1  }
0xa3: {  	[sflag:s23] =	ssyncset.done $0x0  }
0xa4: {  	s25 =	simm.s32 $0x1B8E;
	s24 =	sld [smem:$0x3FFE];
	[sflag:s23] =	ssyncadd.s32 $0xFFFFFFFF  }
0xa5: {  	s26 =	simm.s32 $execute0_lowered;
	[smem:$0x3FD2] =	sst s25  }
0xa6: {  	s5 =	sshll.u32 s26, $0x1;
	_ =	strace $0x80000046;
	[dreg:$0x1] =	wrdreg $0xFFFFFFFF  }
0xa7: {  	s28 =	simm.s32 $_size_execute0_lowered;
	s3 =	sadd.s32 s3, s5;
	[dreg:$0x0] =	wrdreg $0x0  }
0xa8: {  	s5 =	sshll.u32 s28, $0x1;
	[dreg:$0x2] =	wrdreg s3  }
0xa9: {  	[dreg:$0x3] =	wrdreg s5  }
0xaa: {  	[dreg:$0x4] =	wrdreg $0xC0  }
0xab: {  	_ =	task [dreg:s7], $0x5FFFF  }
0xac: {  	[dreg:$0x1] =	wrdreg $0xFFFFFFFF  }
0xad: {  	[dreg:$0x0] =	wrdreg $0x60  }
0xae: {  	[dreg:$0x2] =	wrdreg s2  }
0xaf: {  	[dreg:$0x3] =	wrdreg s24  }
0xb0: {  	[dreg:$0x4] =	wrdreg $0x9  }
0xb1: {  	_ =	task.clear_ibuf [dreg:s7], $0x5FFFF;
	_ =	strace $0x90000046  }
0xb2: {  	s29 =	simm.s32 $0x9;
	_ =	strace $0x80000048  }
0xb3: {  	_ =	swait.ge [sflag:s29], $0x1  }
0xb4: {  	[sflag:s29] =	ssyncadd.s32 $0xFFFFFFFF  }
0xb5: {  	_ =	strace $0x90000048  }
0xb6: {  	_ =	sfence  }
0xb7: {  	s30 =	sld [smem:$0x0];
	_ =	sdelay $0x2  }
0xb8: {  	s31 =	sshll.u32 s1, $0xD;
	s1 =	sshrl.u32 s1, $0x2  }
0xb9: {  	s3 =	sand.u32 $0x4000, s31;
	s1 =	sadd.s32 s1, s30  }
0xba: {  	s0 =	sor.u32 s3, s0;
	s1 =	sshll.u32 s1, $0x11  }
0xbb: {  	s0 =	sor.u32 s1, s0  }
0xbc: {  	s0 =	sadd.s32 $0x8F2B, s0  }
0xbd: {  	[sflag:s0] =	ssyncadd.remote.s32 $0x1  }
0xbe: {  	_ =	sfence.sel $0xFFFF  }
0xbf: {  	[dreg:$0x0] =	wrdreg $0xFFFFFFFF;
	(pc) =	sbr.abs _section_cstart, $3  }
0xc0: {  	[dreg:$0x1] =	wrdreg $0xFFFFFFFF  }
0xc1: {  	_ =	task.clear_ibuf [dreg:s7], $0x2FFFF;
	_ =	strace $0x9FFFFFFF  }
0xc2: {  	(tm) =	ssettm $0x7FFFFFFF  }
0xc3: {  	_ =	shalt  }
tec
execute0_lowered:
.L_overlay_start_1:
0x0: {  	(tag) =	ssettag $0x1  }
0x1: {  	s4 =	rddreg [dreg:$0x0]  }
0x2: {  	s1 =	srdreg.scid;
	s0 =	stileid.u32  }
0x3: {  	s5 =	rddreg [dreg:$0x1];
	s3 =	sand.u32 $0x1, s1;
	s6 =	sshll.u32 s0, $0x1  }
0x4: {  	s2 =	simm.s32 $0x0;
	s1 =	rddreg [dreg:$0x2];
	s6 =	sor.u32 s3, s6  }
0x5: {  	[smem:$0x7FF] =	sst s2;
	s8 =	ssub.s32 $0x2, s3;
	s7 =	smul.u32 $0x4F0, s6  }
0x6: {  	_ =	strace $0x80000047;
	s9 =	sshrl.u32 s8, $0x1;
	s6 =	smul.u32 $0x500, s6  }
0x7: {  	s3 =	sadd.s32 $0x3400, s5;
	s31 =	ssub.s32 s8, s9;
	s8 =	simm.s32 $0x2780  }
0x8: {  	s9 =	simm.s32 $0x0;
	s5 =	sadd.s32 s7, s5;
	s4 =	sadd.s32 s4, s6  }
0x9: {  	v0 =	vimm.f32 $1.000000000e+00;
	s6 =	smax.u32 s31, $0x1;
	s7 =	simm.s32 $0x1;
	s5 =	sadd.s32 $0x3A00, s5  }
.LBB2_1:
0xa: {  	[tilespmem:s2], [sflag:$0x1] =	stream.linear.gather [hbm4b:s3+s2], $0x2780, $0x38;
	[tilespmem:$0x4F80] =	vst v63  }
0xb: {  	_ =	swait.ge [sflag:s7], $0x2780  }
0xc: {  	[sflag:s7] =	ssyncset.done $0x0  }
0xd: {  	[sflag:s7] =	ssyncadd.s32 $0xFFFFD880  }
0xe: {  	[tilespmem:s8], [sflag:$0x1] =	stream.linear.gather [hbm4b:s4+s2], $0x2800, $0x38;
	[tilespmem:$0x4F80] =	vst v63  }
0xf: {  	_ =	swait.ge [sflag:s7], $0x2800  }
0x10: {  	[sflag:s7] =	ssyncset.done $0x0  }
0x11: {  	s10 =	simm.s32 $0x0;
	[sflag:s7] =	ssyncadd.s32 $0xFFFFD800  }
.LBB2_2:
0x12: {  	s11 =	sshra.s32 s10, $0x2  }
0x13: {  	v1 =	vld [tilespmem:s11+$0x2780];
	_ =	sdelay $0x7  }
0x14: {  	[tilespmem:v1+s2+$0x0] =	vst.idx.add.f32.msk $0xffff, v0  }
0x15: {  	v1 =	vld [tilespmem:s11+$0x2790];
	_ =	sdelay $0x7  }
0x16: {  	[tilespmem:v1+s2+$0x0] =	vst.idx.add.f32.msk $0xffff, v0  }
0x17: {  	v1 =	vld [tilespmem:s11+$0x27A0];
	_ =	sdelay $0x7  }
0x18: {  	[tilespmem:v1+s2+$0x0] =	vst.idx.add.f32.msk $0xffff, v0  }
0x19: {  	v1 =	vld [tilespmem:s11+$0x27B0];
	_ =	sdelay $0x7  }
0x1a: {  	[tilespmem:v1+s2+$0x0] =	vst.idx.add.f32.msk $0xffff, v0  }
0x1b: {  	v1 =	vld [tilespmem:s11+$0x27C0];
	_ =	sdelay $0x7  }
0x1c: {  	[tilespmem:v1+s2+$0x0] =	vst.idx.add.f32.msk $0xffff, v0  }
0x1d: {  	v1 =	vld [tilespmem:s11+$0x27D0];
	_ =	sdelay $0x7  }
0x1e: {  	[tilespmem:v1+s2+$0x0] =	vst.idx.add.f32.msk $0xffff, v0  }
0x1f: {  	v1 =	vld [tilespmem:s11+$0x27E0];
	_ =	sdelay $0x7  }
0x20: {  	[tilespmem:v1+s2+$0x0] =	vst.idx.add.f32.msk $0xffff, v0  }
0x21: {  	v1 =	vld [tilespmem:s11+$0x27F0];
	_ =	sdelay $0x2  }
0x22: {  	p0 =	sne.s32 s10, $0x9E00  }
.Ltmp0:
0x23: {  	_ = 	snop;
	(pc) =	sbr.rel @p0 .LBB2_2-.Ltmp0, $2  }
0x24: {  	_ =	sdelay $0x2  }
0x25: {  	s10 =	sadd.s32 $0x200, s10;
	[tilespmem:v1+s2+$0x0] =	vst.idx.add.f32.msk $0xffff, v0  }
0x26: {  	s9 =	sadd.s32 $0x1, s9  }
0x27: {  	p0 =	sne.s32 s9, s6  }
.Ltmp1:
0x28: {  	_ = 	snop;
	(pc) =	sbr.rel @p0 .LBB2_1-.Ltmp1, $4  }
0x29: {  	[hbm4b:s5+s2] =	stream.linear.scatter [tilespmem:s2], [sflag:$0x1], $0x2780, $0x38;
	[tilespmem:$0x4F80] =	vst v63  }
0x2a: {  	_ =	swait.ge [sflag:s7], $0x2780  }
0x2b: {  	[sflag:s7] =	ssyncset.done $0x0  }
0x2c: {  	[sflag:s7] =	ssyncadd.s32 $0xFFFFD880  }
0x2d: {  	_ =	sfence.sel $0x180000  }
0x2e: {  	[bflag:$0x0] =	sbarrier.arrive $0xFFFF  }
0x2f: {  	p0 =	sne.s32 s0, $0x0;
	_ =	strace $0x90000047  }
0x30: {  	s0 =	sadd.s32 @!p0 $0x100000, s1;
	[bflag:$0x2] =	sbarrier.arrive $0xFFFF  }
0x31: {  	[sflag:s0] =	ssyncadd.tile.s32 @!p0 $0x1;
	_ =	shalt  }
.Lfunc_end2:
_tile_overlayer_lowered:
.L_overlay_start_2:
0x32: {  	(tag) =	ssettag $0x2  }
0x33: {  	s0 =	rddreg [dreg:$0x0];
	s2 =	stileid.u32  }
0x34: {  	s1 =	rddreg [dreg:$0x1];
	p0 =	sne.s32 s2, $0x0  }
0x35: {  	s3 =	rddreg [dreg:$0x2];
	[bflag:$0x3] =	sbarrier.arrive $0xFFFF;
	s2 =	simm.s32 @!p0 $0x1C01  }
0x36: {  	[timem:s3], [sflag:s2] =	dma.local @!p0 [hbm:s0], s1  }
0x37: {  	s0 =	simm.s32 @!p0 $0x1  }
0x38: {  	_ =	swait.ge @!p0 [sflag:s0], s1  }
0x39: {  	s1 =	ssub.s32 @!p0 $0x0, s1;
	[sflag:s0] =	ssyncset.done @!p0 $0x0  }
0x3a: {  	[sflag:s0] =	ssyncadd.s32 @!p0 s1  }
0x3b: {  	[bflag:$0x3] =	sbarrier.arrive $0xFFFF  }
0x3c: {  	_ =	shalt  }

</sc_bundles>
